<compile_context>
chip_gen: v7x
topology: tpu7x:2x2x1
jax: 0.10.2.dev20260603
libtpu: 0.0.44.dev20260713+nightly
codegen_flags: <defaults>
</compile_context>

<pallas_src>
import functools

import jax
import jax.numpy as jnp
from jax import lax
from jax.experimental import pallas as pl
from jax.experimental.pallas import tpu as pltpu
from jax.experimental.pallas import tpu_sc as plsc

_H = 256
_NROWS = 160000
_NSEG = 10000
_R = 3200
_W = 256
_SB = 2000

_NSC = 2
_NSUB = 16
_B = 128
_NB = 79
_M = _NB * _B
_NPAD = _NSUB * _M
_HSEG = _NSEG // _NSC
_CPAD = 5008

_DN = (((1,), (1,)), ((), ()))


def _phi_reduce_body(idx_ref, x_ref, w1_ref, b1_ref, w2_ref, b2_ref, acc_ref):
    i = pl.program_id(0)

    @pl.when(i == 0)
    def _init():
        acc_ref[...] = jnp.zeros_like(acc_ref)

    _RH = _R // 2

    def phi(xh):
        h = jnp.maximum(
            lax.dot_general(xh.astype(jnp.bfloat16), w1_ref[...], _DN,
                            preferred_element_type=jnp.float32)
            .astype(jnp.bfloat16) + b1_ref[...], 0.0)
        return jnp.maximum(
            lax.dot_general(h, w2_ref[...], _DN,
                            preferred_element_type=jnp.float32)
            .astype(jnp.bfloat16) + b2_ref[...], 0.0)

    hb_a = phi(x_ref[:_RH, :])
    hb_b = phi(x_ref[_RH:, :])

    idx = idx_ref[0]

    def reduce_half(idx_h, hb, prev_end):
        s0 = jnp.min(idx_h)
        max_idx = jnp.max(idx_h)

        def accum(base, oh):
            contrib = jnp.dot(oh, hb, preferred_element_type=jnp.float32)
            acc_ref[pl.ds(base, _W), :] += contrib
            return base + _W

        base0 = jnp.minimum((s0 // 8) * 8, _NSEG - _W)
        lanes0 = lax.broadcasted_iota(jnp.int32, (_W, _RH), 0) + base0
        idx_b0 = jnp.broadcast_to(idx_h, (_W, _RH))
        s1 = accum(base0, (idx_b0 == lanes0).astype(jnp.bfloat16))

        n_extra = jnp.maximum(0, (max_idx - s1 + _W) // _W)

        def pass_body(_, s):
            base = jnp.minimum((s // 8) * 8, _NSEG - _W)
            lanes = lax.broadcasted_iota(jnp.int32, (_W, _RH), 0) + base
            idx_b = jnp.broadcast_to(idx_h, (_W, _RH))
            oh = ((idx_b == lanes) & (idx_b >= s)).astype(jnp.bfloat16)
            return accum(base, oh)

        return lax.fori_loop(0, n_extra, pass_body, s1)

    reduce_half(idx[:, :_RH], hb_a, 0)
    reduce_half(idx[:, _RH:], hb_b, 0)


def _sc_counts_body(idx_hbm, out_hbm, idx_vm, lidx_vm, ones_v, zbuf, cnt_sh,
                    sem):
    c = lax.axis_index("c")
    s = lax.axis_index("s")

    for k in range(_B // 16):
        ones_v[pl.ds(16 * k, 16)] = jnp.ones((16,), jnp.float32)

    @pl.when(s == 0)
    def _zero():
        def zb(j, carry):
            zbuf[pl.ds(16 * j, 16)] = jnp.zeros((16,), jnp.float32)
            return carry
        lax.fori_loop(0, _CPAD // 16, zb, 0)
        pltpu.sync_copy(zbuf, cnt_sh)

    plsc.subcore_barrier()

    pltpu.sync_copy(idx_hbm.at[s], idx_vm)

    lo = c * _HSEG

    def lrow(j, carry):
        for k in range(_B // 16):
            v = idx_vm[j, pl.ds(16 * k, 16)] - lo
            ok = (v >= 0) & (v < _HSEG)
            lidx_vm[j, pl.ds(16 * k, 16)] = jnp.where(ok, v, _HSEG)
        return carry

    lax.fori_loop(0, _NB, lrow, 0)

    def fire(j, carry):
        pltpu.async_copy(ones_v, cnt_sh.at[lidx_vm.at[j]], sem, add=True)
        return carry

    lax.fori_loop(0, _NB, fire, 0)

    def drain(j, carry):
        pltpu.make_async_copy(ones_v, cnt_sh.at[lidx_vm.at[0]], sem).wait()
        return carry

    lax.fori_loop(0, _NB, drain, 0)

    plsc.subcore_barrier()

    @pl.when(s == 0)
    def _flush():
        pltpu.sync_copy(cnt_sh, out_hbm.at[c])


def _sc_counts(idx3):
    mesh = plsc.VectorSubcoreMesh(core_axis_name="c", subcore_axis_name="s")
    f = functools.partial(
        pl.kernel,
        mesh=mesh,
        out_type=jax.ShapeDtypeStruct((_NSC, _CPAD), jnp.float32),
        scratch_types=[
            pltpu.VMEM((_NB, _B), jnp.int32),
            pltpu.VMEM((_NB, _B), jnp.int32),
            pltpu.VMEM((_B,), jnp.float32),
            pltpu.VMEM((_CPAD,), jnp.float32),
            pltpu.VMEM_SHARED((_CPAD,), jnp.float32),
            pltpu.SemaphoreType.DMA,
        ],
    )(_sc_counts_body)
    return f(idx3)


def _rho_body(acc_ref, cnt_ref, w3_ref, b3_ref, w4_ref, b4_ref, out_ref):
    pooled = acc_ref[...] / jnp.maximum(cnt_ref[...], 1.0)
    o = jnp.maximum(
        lax.dot_general(pooled.astype(jnp.bfloat16), w3_ref[...], _DN,
                        preferred_element_type=jnp.float32) + b3_ref[...], 0.0)
    o = jnp.maximum(
        lax.dot_general(o.astype(jnp.bfloat16), w4_ref[...], _DN,
                        preferred_element_type=jnp.float32) + b4_ref[...], 0.0)
    out_ref[...] = o


@jax.jit
def kernel(x, molecule_idx, W1, b1, W2, b2, W3, b3, W4, b4):
    nchunks = _NROWS // _R
    idx32 = molecule_idx.astype(jnp.int32)
    idx3 = idx32.reshape(nchunks, 1, _R)
    bf = jnp.bfloat16

    idx_pad = jnp.pad(idx32, (0, _NPAD - _NROWS), constant_values=_NSEG)
    cnt2 = _sc_counts(idx_pad.reshape(_NSUB, _NB, _B))
    cnt = jnp.concatenate([cnt2[0, :_HSEG], cnt2[1, :_HSEG]]).reshape(_NSEG, 1)

    acc = pl.pallas_call(
        _phi_reduce_body,
        grid=(nchunks,),
        in_specs=[
            pl.BlockSpec((1, 1, _R), lambda i: (i, 0, 0)),
            pl.BlockSpec((_R, _H), lambda i: (i, 0)),
            pl.BlockSpec((_H, _H), lambda i: (0, 0)),
            pl.BlockSpec((1, _H), lambda i: (0, 0)),
            pl.BlockSpec((_H, _H), lambda i: (0, 0)),
            pl.BlockSpec((1, _H), lambda i: (0, 0)),
        ],
        out_specs=pl.BlockSpec((_NSEG, _H), lambda i: (0, 0)),
        out_shape=jax.ShapeDtypeStruct((_NSEG, _H), jnp.float32),
    )(idx3, x, W1.astype(bf), b1.reshape(1, _H).astype(bf),
      W2.astype(bf), b2.reshape(1, _H).astype(bf))

    out = pl.pallas_call(
        _rho_body,
        grid=(_NSEG // _SB,),
        in_specs=[
            pl.BlockSpec((_SB, _H), lambda i: (i, 0)),
            pl.BlockSpec((_SB, 1), lambda i: (i, 0)),
            pl.BlockSpec((_H, _H), lambda i: (0, 0)),
            pl.BlockSpec((1, _H), lambda i: (0, 0)),
            pl.BlockSpec((_H, _H), lambda i: (0, 0)),
            pl.BlockSpec((1, _H), lambda i: (0, 0)),
        ],
        out_specs=pl.BlockSpec((_SB, _H), lambda i: (i, 0)),
        out_shape=jax.ShapeDtypeStruct((_NSEG, _H), jnp.float32),
    )(acc, cnt, W3.astype(bf), b3.reshape(1, _H), W4.astype(bf),
      b4.reshape(1, _H))
    return out

# --- scband reference (transcript-rebuilt; emitter-appended) ---
"""Pipeline reference for scband-deep-sets-34394098106852 (READ-ONLY COPY).

The authoritative reference and input builder live on the scoring server;
editing this copy changes nothing except your own understanding.
"""

import jax, jax.numpy as jnp
import numpy as np

HIDDEN = 256
N = 160000
NUM_SEG = 10000

def setup_inputs(seed: int = 0) -> dict:
    key = jax.random.key(seed)
    ks = jax.random.split(key, 16)
    x = jax.random.normal(ks[0], (N, HIDDEN), dtype=jnp.float32)
    molecule_idx = jnp.sort(jax.random.randint(ks[1], (N,), 0, NUM_SEG, dtype=jnp.int64 if jax.config.jax_enable_x64 else jnp.int32))
    s = 1.0 / np.sqrt(HIDDEN)
    W1 = jax.random.uniform(ks[2], (HIDDEN, HIDDEN), jnp.float32, -s, s)
    b1 = jax.random.uniform(ks[3], (HIDDEN,), jnp.float32, -s, s)
    W2 = jax.random.uniform(ks[4], (HIDDEN, HIDDEN), jnp.float32, -s, s)
    b2 = jax.random.uniform(ks[5], (HIDDEN,), jnp.float32, -s, s)
    W3 = jax.random.uniform(ks[6], (HIDDEN, HIDDEN), jnp.float32, -s, s)
    b3 = jax.random.uniform(ks[7], (HIDDEN,), jnp.float32, -s, s)
    W4 = jax.random.uniform(ks[8], (HIDDEN, HIDDEN), jnp.float32, -s, s)
    b4 = jax.random.uniform(ks[9], (HIDDEN,), jnp.float32, -s, s)
    return {"x": x, "molecule_idx": molecule_idx, "W1": W1, "b1": b1, "W2": W2, "b2": b2, "W3": W3, "b3": b3, "W4": W4, "b4": b4}

def reference(x, molecule_idx, W1, b1, W2, b2, W3, b3, W4, b4):
    # phi
    h = jax.nn.relu(x @ W1.T + b1)
    h = jax.nn.relu(h @ W2.T + b2)
    # scatter mean over molecule_idx
    sums = jax.ops.segment_sum(h, molecule_idx, num_segments=NUM_SEG)
    counts = jax.ops.segment_sum(jnp.ones((h.shape[0],), dtype=h.dtype), molecule_idx, num_segments=NUM_SEG)
    pooled = sums / jnp.clip(counts, 1.0, None)[:, None]
    # rho
    out = jax.nn.relu(pooled @ W3.T + b3)
    out = jax.nn.relu(out @ W4.T + b4)
    return out

if __name__ == "__main__":
    import jax
    _d = setup_inputs()
    print(jax.jit(kernel)(*tuple(_d.values())))

</pallas_src>

<mosaic_0001>
#map = affine_map<(d0, d1) -> (0, 0, 0)>
#map1 = affine_map<(d0, d1) -> (0, 0)>
module attributes {stable_mosaic.version = 14 : i64} {
  func.func @_sc_counts_body(%arg0: i32, %arg1: i32, %arg2: memref<16x79x128xi32, #tpu.memory_space<hbm>>, %arg3: memref<2x5008xf32, #tpu.memory_space<hbm>>, %arg4: memref<79x128xi32, #tpu.memory_space<vmem>>, %arg5: memref<79x128xi32, #tpu.memory_space<vmem>>, %arg6: memref<128xf32, #tpu.memory_space<vmem>>, %arg7: memref<5008xf32, #tpu.memory_space<vmem>>, %arg8: memref<5008xf32, #tpu.memory_space<vmem_shared>>, %arg9: memref<!tpu.dma_semaphore, #tpu.memory_space<semaphore_mem>>) attributes {dimension_semantics = [#tpu.dimension_semantics<core_parallel>, #tpu.dimension_semantics<subcore_parallel>], iteration_bounds = array<i64: 2, 16>, scalar_prefetch = 0 : i64, scratch_operands = 6 : i64, tpu.core_type = #tpu.core_type<sc_vector_subcore>, window_params = [{transform_indices = #map}, {transform_indices = #map1}]} {
    %broadcast_in_dim3A = arith.constant 1.000000e+00 : f32
    %broadcast_in_dim3A_0 = vector.broadcast %broadcast_in_dim3A : f32 to vector<16xf32>
    %swap3A = arith.constant 0 : index
    %swap3A_1 = tpu.vector_load %arg6[%swap3A] {strides = array<i32>} : memref<128xf32, #tpu.memory_space<vmem>>, vector<16xf32>,
    %swap3A_2 = vector.shape_cast %swap3A_1 : vector<16xf32> to vector<16xf32>
    %swap3A_3 = vector.shape_cast %broadcast_in_dim3A_0 : vector<16xf32> to vector<16xf32>
    tpu.vector_store %arg6[%swap3A], %swap3A_3 {strides = array<i32>} : memref<128xf32, #tpu.memory_space<vmem>>, vector<16xf32>,
    %broadcast_in_dim3A_4 = arith.constant 1.000000e+00 : f32
    %broadcast_in_dim3A_5 = vector.broadcast %broadcast_in_dim3A_4 : f32 to vector<16xf32>
    %swap3A_6 = arith.constant 16 : index
    %swap3A_7 = tpu.vector_load %arg6[%swap3A_6] {strides = array<i32>} : memref<128xf32, #tpu.memory_space<vmem>>, vector<16xf32>,
    %swap3A_8 = vector.shape_cast %swap3A_7 : vector<16xf32> to vector<16xf32>
    %swap3A_9 = vector.shape_cast %broadcast_in_dim3A_5 : vector<16xf32> to vector<16xf32>
    tpu.vector_store %arg6[%swap3A_6], %swap3A_9 {strides = array<i32>} : memref<128xf32, #tpu.memory_space<vmem>>, vector<16xf32>,
    %broadcast_in_dim3A_10 = arith.constant 1.000000e+00 : f32
    %broadcast_in_dim3A_11 = vector.broadcast %broadcast_in_dim3A_10 : f32 to vector<16xf32>
    %swap3A_12 = arith.constant 32 : index
    %swap3A_13 = tpu.vector_load %arg6[%swap3A_12] {strides = array<i32>} : memref<128xf32, #tpu.memory_space<vmem>>, vector<16xf32>,
    %swap3A_14 = vector.shape_cast %swap3A_13 : vector<16xf32> to vector<16xf32>
    %swap3A_15 = vector.shape_cast %broadcast_in_dim3A_11 : vector<16xf32> to vector<16xf32>
    tpu.vector_store %arg6[%swap3A_12], %swap3A_15 {strides = array<i32>} : memref<128xf32, #tpu.memory_space<vmem>>, vector<16xf32>,
    %broadcast_in_dim3A_16 = arith.constant 1.000000e+00 : f32
    %broadcast_in_dim3A_17 = vector.broadcast %broadcast_in_dim3A_16 : f32 to vector<16xf32>
    %swap3A_18 = arith.constant 48 : index
    %swap3A_19 = tpu.vector_load %arg6[%swap3A_18] {strides = array<i32>} : memref<128xf32, #tpu.memory_space<vmem>>, vector<16xf32>,
    %swap3A_20 = vector.shape_cast %swap3A_19 : vector<16xf32> to vector<16xf32>
    %swap3A_21 = vector.shape_cast %broadcast_in_dim3A_17 : vector<16xf32> to vector<16xf32>
    tpu.vector_store %arg6[%swap3A_18], %swap3A_21 {strides = array<i32>} : memref<128xf32, #tpu.memory_space<vmem>>, vector<16xf32>,
    %broadcast_in_dim3A_22 = arith.constant 1.000000e+00 : f32
    %broadcast_in_dim3A_23 = vector.broadcast %broadcast_in_dim3A_22 : f32 to vector<16xf32>
    %swap3A_24 = arith.constant 64 : index
    %swap3A_25 = tpu.vector_load %arg6[%swap3A_24] {strides = array<i32>} : memref<128xf32, #tpu.memory_space<vmem>>, vector<16xf32>,
    %swap3A_26 = vector.shape_cast %swap3A_25 : vector<16xf32> to vector<16xf32>
    %swap3A_27 = vector.shape_cast %broadcast_in_dim3A_23 : vector<16xf32> to vector<16xf32>
    tpu.vector_store %arg6[%swap3A_24], %swap3A_27 {strides = array<i32>} : memref<128xf32, #tpu.memory_space<vmem>>, vector<16xf32>,
    %broadcast_in_dim3A_28 = arith.constant 1.000000e+00 : f32
    %broadcast_in_dim3A_29 = vector.broadcast %broadcast_in_dim3A_28 : f32 to vector<16xf32>
    %swap3A_30 = arith.constant 80 : index
    %swap3A_31 = tpu.vector_load %arg6[%swap3A_30] {strides = array<i32>} : memref<128xf32, #tpu.memory_space<vmem>>, vector<16xf32>,
    %swap3A_32 = vector.shape_cast %swap3A_31 : vector<16xf32> to vector<16xf32>
    %swap3A_33 = vector.shape_cast %broadcast_in_dim3A_29 : vector<16xf32> to vector<16xf32>
    tpu.vector_store %arg6[%swap3A_30], %swap3A_33 {strides = array<i32>} : memref<128xf32, #tpu.memory_space<vmem>>, vector<16xf32>,
    %broadcast_in_dim3A_34 = arith.constant 1.000000e+00 : f32
    %broadcast_in_dim3A_35 = vector.broadcast %broadcast_in_dim3A_34 : f32 to vector<16xf32>
    %swap3A_36 = arith.constant 96 : index
    %swap3A_37 = tpu.vector_load %arg6[%swap3A_36] {strides = array<i32>} : memref<128xf32, #tpu.memory_space<vmem>>, vector<16xf32>,
    %swap3A_38 = vector.shape_cast %swap3A_37 : vector<16xf32> to vector<16xf32>
    %swap3A_39 = vector.shape_cast %broadcast_in_dim3A_35 : vector<16xf32> to vector<16xf32>
    tpu.vector_store %arg6[%swap3A_36], %swap3A_39 {strides = array<i32>} : memref<128xf32, #tpu.memory_space<vmem>>, vector<16xf32>,
    %broadcast_in_dim3A_40 = arith.constant 1.000000e+00 : f32
    %broadcast_in_dim3A_41 = vector.broadcast %broadcast_in_dim3A_40 : f32 to vector<16xf32>
    %swap3A_42 = arith.constant 112 : index
    %swap3A_43 = tpu.vector_load %arg6[%swap3A_42] {strides = array<i32>} : memref<128xf32, #tpu.memory_space<vmem>>, vector<16xf32>,
    %swap3A_44 = vector.shape_cast %swap3A_43 : vector<16xf32> to vector<16xf32>
    %swap3A_45 = vector.shape_cast %broadcast_in_dim3A_41 : vector<16xf32> to vector<16xf32>
    tpu.vector_store %arg6[%swap3A_42], %swap3A_45 {strides = array<i32>} : memref<128xf32, #tpu.memory_space<vmem>>, vector<16xf32>,
    %eq3A = arith.constant 0 : i32
    %eq3A_46 = arith.cmpi eq, %arg1, %eq3A : i32
    %convert_element_type3A = arith.extui %eq3A_46 : i1 to i32
    %cond3A = arith.constant 0 : i32
    %cond3A_47 = arith.cmpi ne, %convert_element_type3A, %cond3A : i32
    scf.if %cond3A_47 {
      %scan3A_72 = arith.constant 0 : i32
      %scan3A_73 = arith.constant 0 : i32
      %scan3A_74 = arith.constant 313 : i32
      %scan3A_75 = arith.addi %scan3A_73, %scan3A_74 : i32
      %scan3A_76 = arith.constant 1 : i32
      scf.for %scan3A_78 = %scan3A_73 to %scan3A_75 step %scan3A_76  : i32 {
        %broadcast_in_dim3A_79 = arith.constant 0.000000e+00 : f32
        %broadcast_in_dim3A_80 = vector.broadcast %broadcast_in_dim3A_79 : f32 to vector<16xf32>
        %mul3A_81 = arith.constant 16 : i32
        %mul3A_82 = arith.muli %mul3A_81, %scan3A_78 : i32
        %swap3A_83 = arith.index_cast %mul3A_82 : i32 to index
        %swap3A_84 = tpu.vector_load %arg7[%swap3A_83] {strides = array<i32>} : memref<5008xf32, #tpu.memory_space<vmem>>, vector<16xf32>,
        %swap3A_85 = vector.shape_cast %swap3A_84 : vector<16xf32> to vector<16xf32>
        %swap3A_86 = vector.shape_cast %broadcast_in_dim3A_80 : vector<16xf32> to vector<16xf32>
        tpu.vector_store %arg7[%swap3A_83], %swap3A_86 {strides = array<i32>} : memref<5008xf32, #tpu.memory_space<vmem>>, vector<16xf32>,
      }
      %scan3A_77 = arith.constant 313 : i32
      "tpu.region"() ({
        %run_scoped3A = tpu.sem_alloc : memref<!tpu.dma_semaphore, #tpu.memory_space<semaphore_mem>>
        tpu.enqueue_dma source(%arg7 : memref<5008xf32, #tpu.memory_space<vmem>>) target(%arg8 : memref<5008xf32, #tpu.memory_space<vmem_shared>>) target_semaphore(%run_scoped3A : memref<!tpu.dma_semaphore, #tpu.memory_space<semaphore_mem>>)
        tpu.wait_dma2 semaphore(%run_scoped3A : memref<!tpu.dma_semaphore, #tpu.memory_space<semaphore_mem>>) src(%arg7 : memref<5008xf32, #tpu.memory_space<vmem>>) dst(%arg8 : memref<5008xf32, #tpu.memory_space<vmem_shared>>)
        tpu.yield
      }) : () -> ()
    } else {
    }
    %barrier3A = arith.constant 0 : index
    tpu.barrier barrier_id(%barrier3A)
    "tpu.region"() ({
      %run_scoped3A = tpu.sem_alloc : memref<!tpu.dma_semaphore, #tpu.memory_space<semaphore_mem>>
      %dma_start3A = arith.constant 0 : i32
      %dma_start3A_72 = arith.constant 0 : i32
      %dma_start3A_73 = tpu.memref_slice %arg2[%arg1, %dma_start3A, %dma_start3A_72] : memref<16x79x128xi32, #tpu.memory_space<hbm>> -> memref<1x79x128xi32, #tpu.memory_space<hbm>>
      %dma_start3A_74 = tpu.memref_squeeze %dma_start3A_73 : memref<1x79x128xi32, #tpu.memory_space<hbm>> -> memref<79x128xi32, #tpu.memory_space<hbm>>
      %dma_start3A_75 = arith.constant 0 : i32
      %dma_start3A_76 = arith.constant 0 : i32
      %dma_start3A_77 = tpu.memref_slice %arg2[%arg1, %dma_start3A_75, %dma_start3A_76] : memref<16x79x128xi32, #tpu.memory_space<hbm>> -> memref<1x79x128xi32, #tpu.memory_space<hbm>>
      %dma_start3A_78 = tpu.memref_squeeze %dma_start3A_77 : memref<1x79x128xi32, #tpu.memory_space<hbm>> -> memref<79x128xi32, #tpu.memory_space<hbm>>
      tpu.enqueue_dma source(%dma_start3A_78 : memref<79x128xi32, #tpu.memory_space<hbm>>) target(%arg4 : memref<79x128xi32, #tpu.memory_space<vmem>>) target_semaphore(%run_scoped3A : memref<!tpu.dma_semaphore, #tpu.memory_space<semaphore_mem>>)
      %dma_wait3A = arith.constant 0 : i32
      %dma_wait3A_79 = arith.constant 0 : i32
      %dma_wait3A_80 = tpu.memref_slice %arg2[%arg1, %dma_wait3A, %dma_wait3A_79] : memref<16x79x128xi32, #tpu.memory_space<hbm>> -> memref<1x79x128xi32, #tpu.memory_space<hbm>>
      %dma_wait3A_81 = tpu.memref_squeeze %dma_wait3A_80 : memref<1x79x128xi32, #tpu.memory_space<hbm>> -> memref<79x128xi32, #tpu.memory_space<hbm>>
      %dma_wait3A_82 = arith.constant 0 : i32
      %dma_wait3A_83 = arith.constant 0 : i32
      %dma_wait3A_84 = tpu.memref_slice %arg2[%arg1, %dma_wait3A_82, %dma_wait3A_83] : memref<16x79x128xi32, #tpu.memory_space<hbm>> -> memref<1x79x128xi32, #tpu.memory_space<hbm>>
      %dma_wait3A_85 = tpu.memref_squeeze %dma_wait3A_84 : memref<1x79x128xi32, #tpu.memory_space<hbm>> -> memref<79x128xi32, #tpu.memory_space<hbm>>
      tpu.wait_dma2 semaphore(%run_scoped3A : memref<!tpu.dma_semaphore, #tpu.memory_space<semaphore_mem>>) src(%dma_wait3A_85 : memref<79x128xi32, #tpu.memory_space<hbm>>) dst(%arg4 : memref<79x128xi32, #tpu.memory_space<vmem>>)
      tpu.yield
    }) : () -> ()
    %mul3A = arith.constant 5000 : i32
    %mul3A_48 = arith.muli %arg0, %mul3A : i32
    %scan3A = arith.constant 0 : i32
    %scan3A_49 = arith.constant 0 : i32
    %scan3A_50 = arith.constant 79 : i32
    %scan3A_51 = arith.addi %scan3A_49, %scan3A_50 : i32
    %scan3A_52 = arith.constant 1 : i32
    scf.for %scan3A_72 = %scan3A_49 to %scan3A_51 step %scan3A_52  : i32 {
      %get3A = arith.index_cast %scan3A_72 : i32 to index
      %get3A_73 = arith.constant 0 : index
      %get3A_74 = tpu.vector_load %arg4[%get3A, %get3A_73] {strides = array<i32>} : memref<79x128xi32, #tpu.memory_space<vmem>>, vector<1x16xi32>,
      %get3A_75 = vector.shape_cast %get3A_74 : vector<1x16xi32> to vector<16xi32>
      %sub3A = vector.broadcast %mul3A_48 : i32 to vector<16xi32>
      %sub3A_76 = arith.subi %get3A_75, %sub3A : vector<16xi32>
      %ge3A = arith.constant 0 : i32
      %ge3A_77 = vector.broadcast %ge3A : i32 to vector<16xi32>
      %ge3A_78 = arith.cmpi sge, %sub3A_76, %ge3A_77 : vector<16xi32>
      %lt3A = arith.constant 5000 : i32
      %lt3A_79 = vector.broadcast %lt3A : i32 to vector<16xi32>
      %lt3A_80 = arith.cmpi slt, %sub3A_76, %lt3A_79 : vector<16xi32>
      %and3A = arith.andi %ge3A_78, %lt3A_80 : vector<16xi1>
      %jit3A = arith.constant 5000 : i32
      %broadcast_in_dim3A_81 = vector.broadcast %jit3A : i32 to vector<16xi32>
      %select_n3A = arith.select %and3A, %sub3A_76, %broadcast_in_dim3A_81 : vector<16xi1>, vector<16xi32>
      %swap3A_82 = arith.index_cast %scan3A_72 : i32 to index
      %swap3A_83 = arith.constant 0 : index
      %swap3A_84 = tpu.vector_load %arg5[%swap3A_82, %swap3A_83] {strides = array<i32>} : memref<79x128xi32, #tpu.memory_space<vmem>>, vector<1x16xi32>,
      %swap3A_85 = vector.shape_cast %swap3A_84 : vector<1x16xi32> to vector<16xi32>
      %swap3A_86 = vector.shape_cast %select_n3A : vector<16xi32> to vector<1x16xi32>
      tpu.vector_store %arg5[%swap3A_82, %swap3A_83], %swap3A_86 {strides = array<i32>} : memref<79x128xi32, #tpu.memory_space<vmem>>, vector<1x16xi32>,
      %get3A_87 = arith.index_cast %scan3A_72 : i32 to index
      %get3A_88 = arith.constant 16 : index
      %get3A_89 = tpu.vector_load %arg4[%get3A_87, %get3A_88] {strides = array<i32>} : memref<79x128xi32, #tpu.memory_space<vmem>>, vector<1x16xi32>,
      %get3A_90 = vector.shape_cast %get3A_89 : vector<1x16xi32> to vector<16xi32>
      %sub3A_91 = vector.broadcast %mul3A_48 : i32 to vector<16xi32>
      %sub3A_92 = arith.subi %get3A_90, %sub3A_91 : vector<16xi32>
      %ge3A_93 = arith.constant 0 : i32
      %ge3A_94 = vector.broadcast %ge3A_93 : i32 to vector<16xi32>
      %ge3A_95 = arith.cmpi sge, %sub3A_92, %ge3A_94 : vector<16xi32>
      %lt3A_96 = arith.constant 5000 : i32
      %lt3A_97 = vector.broadcast %lt3A_96 : i32 to vector<16xi32>
      %lt3A_98 = arith.cmpi slt, %sub3A_92, %lt3A_97 : vector<16xi32>
      %and3A_99 = arith.andi %ge3A_95, %lt3A_98 : vector<16xi1>
      %jit3A_100 = arith.constant 5000 : i32
      %broadcast_in_dim3A_101 = vector.broadcast %jit3A_100 : i32 to vector<16xi32>
      %select_n3A_102 = arith.select %and3A_99, %sub3A_92, %broadcast_in_dim3A_101 : vector<16xi1>, vector<16xi32>
      %swap3A_103 = arith.index_cast %scan3A_72 : i32 to index
      %swap3A_104 = arith.constant 16 : index
      %swap3A_105 = tpu.vector_load %arg5[%swap3A_103, %swap3A_104] {strides = array<i32>} : memref<79x128xi32, #tpu.memory_space<vmem>>, vector<1x16xi32>,
      %swap3A_106 = vector.shape_cast %swap3A_105 : vector<1x16xi32> to vector<16xi32>
      %swap3A_107 = vector.shape_cast %select_n3A_102 : vector<16xi32> to vector<1x16xi32>
      tpu.vector_store %arg5[%swap3A_103, %swap3A_104], %swap3A_107 {strides = array<i32>} : memref<79x128xi32, #tpu.memory_space<vmem>>, vector<1x16xi32>,
      %get3A_108 = arith.index_cast %scan3A_72 : i32 to index
      %get3A_109 = arith.constant 32 : index
      %get3A_110 = tpu.vector_load %arg4[%get3A_108, %get3A_109] {strides = array<i32>} : memref<79x128xi32, #tpu.memory_space<vmem>>, vector<1x16xi32>,
      %get3A_111 = vector.shape_cast %get3A_110 : vector<1x16xi32> to vector<16xi32>
      %sub3A_112 = vector.broadcast %mul3A_48 : i32 to vector<16xi32>
      %sub3A_113 = arith.subi %get3A_111, %sub3A_112 : vector<16xi32>
      %ge3A_114 = arith.constant 0 : i32
      %ge3A_115 = vector.broadcast %ge3A_114 : i32 to vector<16xi32>
      %ge3A_116 = arith.cmpi sge, %sub3A_113, %ge3A_115 : vector<16xi32>
      %lt3A_117 = arith.constant 5000 : i32
      %lt3A_118 = vector.broadcast %lt3A_117 : i32 to vector<16xi32>
      %lt3A_119 = arith.cmpi slt, %sub3A_113, %lt3A_118 : vector<16xi32>
      %and3A_120 = arith.andi %ge3A_116, %lt3A_119 : vector<16xi1>
      %jit3A_121 = arith.constant 5000 : i32
      %broadcast_in_dim3A_122 = vector.broadcast %jit3A_121 : i32 to vector<16xi32>
      %select_n3A_123 = arith.select %and3A_120, %sub3A_113, %broadcast_in_dim3A_122 : vector<16xi1>, vector<16xi32>
      %swap3A_124 = arith.index_cast %scan3A_72 : i32 to index
      %swap3A_125 = arith.constant 32 : index
      %swap3A_126 = tpu.vector_load %arg5[%swap3A_124, %swap3A_125] {strides = array<i32>} : memref<79x128xi32, #tpu.memory_space<vmem>>, vector<1x16xi32>,
      %swap3A_127 = vector.shape_cast %swap3A_126 : vector<1x16xi32> to vector<16xi32>
      %swap3A_128 = vector.shape_cast %select_n3A_123 : vector<16xi32> to vector<1x16xi32>
      tpu.vector_store %arg5[%swap3A_124, %swap3A_125], %swap3A_128 {strides = array<i32>} : memref<79x128xi32, #tpu.memory_space<vmem>>, vector<1x16xi32>,
      %get3A_129 = arith.index_cast %scan3A_72 : i32 to index
      %get3A_130 = arith.constant 48 : index
      %get3A_131 = tpu.vector_load %arg4[%get3A_129, %get3A_130] {strides = array<i32>} : memref<79x128xi32, #tpu.memory_space<vmem>>, vector<1x16xi32>,
      %get3A_132 = vector.shape_cast %get3A_131 : vector<1x16xi32> to vector<16xi32>
      %sub3A_133 = vector.broadcast %mul3A_48 : i32 to vector<16xi32>
      %sub3A_134 = arith.subi %get3A_132, %sub3A_133 : vector<16xi32>
      %ge3A_135 = arith.constant 0 : i32
      %ge3A_136 = vector.broadcast %ge3A_135 : i32 to vector<16xi32>
      %ge3A_137 = arith.cmpi sge, %sub3A_134, %ge3A_136 : vector<16xi32>
      %lt3A_138 = arith.constant 5000 : i32
      %lt3A_139 = vector.broadcast %lt3A_138 : i32 to vector<16xi32>
      %lt3A_140 = arith.cmpi slt, %sub3A_134, %lt3A_139 : vector<16xi32>
      %and3A_141 = arith.andi %ge3A_137, %lt3A_140 : vector<16xi1>
      %jit3A_142 = arith.constant 5000 : i32
      %broadcast_in_dim3A_143 = vector.broadcast %jit3A_142 : i32 to vector<16xi32>
      %select_n3A_144 = arith.select %and3A_141, %sub3A_134, %broadcast_in_dim3A_143 : vector<16xi1>, vector<16xi32>
      %swap3A_145 = arith.index_cast %scan3A_72 : i32 to index
      %swap3A_146 = arith.constant 48 : index
      %swap3A_147 = tpu.vector_load %arg5[%swap3A_145, %swap3A_146] {strides = array<i32>} : memref<79x128xi32, #tpu.memory_space<vmem>>, vector<1x16xi32>,
      %swap3A_148 = vector.shape_cast %swap3A_147 : vector<1x16xi32> to vector<16xi32>
      %swap3A_149 = vector.shape_cast %select_n3A_144 : vector<16xi32> to vector<1x16xi32>
      tpu.vector_store %arg5[%swap3A_145, %swap3A_146], %swap3A_149 {strides = array<i32>} : memref<79x128xi32, #tpu.memory_space<vmem>>, vector<1x16xi32>,
      %get3A_150 = arith.index_cast %scan3A_72 : i32 to index
      %get3A_151 = arith.constant 64 : index
      %get3A_152 = tpu.vector_load %arg4[%get3A_150, %get3A_151] {strides = array<i32>} : memref<79x128xi32, #tpu.memory_space<vmem>>, vector<1x16xi32>,
      %get3A_153 = vector.shape_cast %get3A_152 : vector<1x16xi32> to vector<16xi32>
      %sub3A_154 = vector.broadcast %mul3A_48 : i32 to vector<16xi32>
      %sub3A_155 = arith.subi %get3A_153, %sub3A_154 : vector<16xi32>
      %ge3A_156 = arith.constant 0 : i32
      %ge3A_157 = vector.broadcast %ge3A_156 : i32 to vector<16xi32>
      %ge3A_158 = arith.cmpi sge, %sub3A_155, %ge3A_157 : vector<16xi32>
      %lt3A_159 = arith.constant 5000 : i32
      %lt3A_160 = vector.broadcast %lt3A_159 : i32 to vector<16xi32>
      %lt3A_161 = arith.cmpi slt, %sub3A_155, %lt3A_160 : vector<16xi32>
      %and3A_162 = arith.andi %ge3A_158, %lt3A_161 : vector<16xi1>
      %jit3A_163 = arith.constant 5000 : i32
      %broadcast_in_dim3A_164 = vector.broadcast %jit3A_163 : i32 to vector<16xi32>
      %select_n3A_165 = arith.select %and3A_162, %sub3A_155, %broadcast_in_dim3A_164 : vector<16xi1>, vector<16xi32>
      %swap3A_166 = arith.index_cast %scan3A_72 : i32 to index
      %swap3A_167 = arith.constant 64 : index
      %swap3A_168 = tpu.vector_load %arg5[%swap3A_166, %swap3A_167] {strides = array<i32>} : memref<79x128xi32, #tpu.memory_space<vmem>>, vector<1x16xi32>,
      %swap3A_169 = vector.shape_cast %swap3A_168 : vector<1x16xi32> to vector<16xi32>
      %swap3A_170 = vector.shape_cast %select_n3A_165 : vector<16xi32> to vector<1x16xi32>
      tpu.vector_store %arg5[%swap3A_166, %swap3A_167], %swap3A_170 {strides = array<i32>} : memref<79x128xi32, #tpu.memory_space<vmem>>, vector<1x16xi32>,
      %get3A_171 = arith.index_cast %scan3A_72 : i32 to index
      %get3A_172 = arith.constant 80 : index
      %get3A_173 = tpu.vector_load %arg4[%get3A_171, %get3A_172] {strides = array<i32>} : memref<79x128xi32, #tpu.memory_space<vmem>>, vector<1x16xi32>,
      %get3A_174 = vector.shape_cast %get3A_173 : vector<1x16xi32> to vector<16xi32>
      %sub3A_175 = vector.broadcast %mul3A_48 : i32 to vector<16xi32>
      %sub3A_176 = arith.subi %get3A_174, %sub3A_175 : vector<16xi32>
      %ge3A_177 = arith.constant 0 : i32
      %ge3A_178 = vector.broadcast %ge3A_177 : i32 to vector<16xi32>
      %ge3A_179 = arith.cmpi sge, %sub3A_176, %ge3A_178 : vector<16xi32>
      %lt3A_180 = arith.constant 5000 : i32
      %lt3A_181 = vector.broadcast %lt3A_180 : i32 to vector<16xi32>
      %lt3A_182 = arith.cmpi slt, %sub3A_176, %lt3A_181 : vector<16xi32>
      %and3A_183 = arith.andi %ge3A_179, %lt3A_182 : vector<16xi1>
      %jit3A_184 = arith.constant 5000 : i32
      %broadcast_in_dim3A_185 = vector.broadcast %jit3A_184 : i32 to vector<16xi32>
      %select_n3A_186 = arith.select %and3A_183, %sub3A_176, %broadcast_in_dim3A_185 : vector<16xi1>, vector<16xi32>
      %swap3A_187 = arith.index_cast %scan3A_72 : i32 to index
      %swap3A_188 = arith.constant 80 : index
      %swap3A_189 = tpu.vector_load %arg5[%swap3A_187, %swap3A_188] {strides = array<i32>} : memref<79x128xi32, #tpu.memory_space<vmem>>, vector<1x16xi32>,
      %swap3A_190 = vector.shape_cast %swap3A_189 : vector<1x16xi32> to vector<16xi32>
      %swap3A_191 = vector.shape_cast %select_n3A_186 : vector<16xi32> to vector<1x16xi32>
      tpu.vector_store %arg5[%swap3A_187, %swap3A_188], %swap3A_191 {strides = array<i32>} : memref<79x128xi32, #tpu.memory_space<vmem>>, vector<1x16xi32>,
      %get3A_192 = arith.index_cast %scan3A_72 : i32 to index
      %get3A_193 = arith.constant 96 : index
      %get3A_194 = tpu.vector_load %arg4[%get3A_192, %get3A_193] {strides = array<i32>} : memref<79x128xi32, #tpu.memory_space<vmem>>, vector<1x16xi32>,
      %get3A_195 = vector.shape_cast %get3A_194 : vector<1x16xi32> to vector<16xi32>
      %sub3A_196 = vector.broadcast %mul3A_48 : i32 to vector<16xi32>
      %sub3A_197 = arith.subi %get3A_195, %sub3A_196 : vector<16xi32>
      %ge3A_198 = arith.constant 0 : i32
      %ge3A_199 = vector.broadcast %ge3A_198 : i32 to vector<16xi32>
      %ge3A_200 = arith.cmpi sge, %sub3A_197, %ge3A_199 : vector<16xi32>
      %lt3A_201 = arith.constant 5000 : i32
      %lt3A_202 = vector.broadcast %lt3A_201 : i32 to vector<16xi32>
      %lt3A_203 = arith.cmpi slt, %sub3A_197, %lt3A_202 : vector<16xi32>
      %and3A_204 = arith.andi %ge3A_200, %lt3A_203 : vector<16xi1>
      %jit3A_205 = arith.constant 5000 : i32
      %broadcast_in_dim3A_206 = vector.broadcast %jit3A_205 : i32 to vector<16xi32>
      %select_n3A_207 = arith.select %and3A_204, %sub3A_197, %broadcast_in_dim3A_206 : vector<16xi1>, vector<16xi32>
      %swap3A_208 = arith.index_cast %scan3A_72 : i32 to index
      %swap3A_209 = arith.constant 96 : index
      %swap3A_210 = tpu.vector_load %arg5[%swap3A_208, %swap3A_209] {strides = array<i32>} : memref<79x128xi32, #tpu.memory_space<vmem>>, vector<1x16xi32>,
      %swap3A_211 = vector.shape_cast %swap3A_210 : vector<1x16xi32> to vector<16xi32>
      %swap3A_212 = vector.shape_cast %select_n3A_207 : vector<16xi32> to vector<1x16xi32>
      tpu.vector_store %arg5[%swap3A_208, %swap3A_209], %swap3A_212 {strides = array<i32>} : memref<79x128xi32, #tpu.memory_space<vmem>>, vector<1x16xi32>,
      %get3A_213 = arith.index_cast %scan3A_72 : i32 to index
      %get3A_214 = arith.constant 112 : index
      %get3A_215 = tpu.vector_load %arg4[%get3A_213, %get3A_214] {strides = array<i32>} : memref<79x128xi32, #tpu.memory_space<vmem>>, vector<1x16xi32>,
      %get3A_216 = vector.shape_cast %get3A_215 : vector<1x16xi32> to vector<16xi32>
      %sub3A_217 = vector.broadcast %mul3A_48 : i32 to vector<16xi32>
      %sub3A_218 = arith.subi %get3A_216, %sub3A_217 : vector<16xi32>
      %ge3A_219 = arith.constant 0 : i32
      %ge3A_220 = vector.broadcast %ge3A_219 : i32 to vector<16xi32>
      %ge3A_221 = arith.cmpi sge, %sub3A_218, %ge3A_220 : vector<16xi32>
      %lt3A_222 = arith.constant 5000 : i32
      %lt3A_223 = vector.broadcast %lt3A_222 : i32 to vector<16xi32>
      %lt3A_224 = arith.cmpi slt, %sub3A_218, %lt3A_223 : vector<16xi32>
      %and3A_225 = arith.andi %ge3A_221, %lt3A_224 : vector<16xi1>
      %jit3A_226 = arith.constant 5000 : i32
      %broadcast_in_dim3A_227 = vector.broadcast %jit3A_226 : i32 to vector<16xi32>
      %select_n3A_228 = arith.select %and3A_225, %sub3A_218, %broadcast_in_dim3A_227 : vector<16xi1>, vector<16xi32>
      %swap3A_229 = arith.index_cast %scan3A_72 : i32 to index
      %swap3A_230 = arith.constant 112 : index
      %swap3A_231 = tpu.vector_load %arg5[%swap3A_229, %swap3A_230] {strides = array<i32>} : memref<79x128xi32, #tpu.memory_space<vmem>>, vector<1x16xi32>,
      %swap3A_232 = vector.shape_cast %swap3A_231 : vector<1x16xi32> to vector<16xi32>
      %swap3A_233 = vector.shape_cast %select_n3A_228 : vector<16xi32> to vector<1x16xi32>
      tpu.vector_store %arg5[%swap3A_229, %swap3A_230], %swap3A_233 {strides = array<i32>} : memref<79x128xi32, #tpu.memory_space<vmem>>, vector<1x16xi32>,
    }
    %scan3A_53 = arith.constant 79 : i32
    %scan3A_54 = arith.constant 0 : i32
    %scan3A_55 = arith.constant 0 : i32
    %scan3A_56 = arith.constant 79 : i32
    %scan3A_57 = arith.addi %scan3A_55, %scan3A_56 : i32
    %scan3A_58 = arith.constant 1 : i32
    scf.for %scan3A_72 = %scan3A_55 to %scan3A_57 step %scan3A_58  : i32 {
      %dma_start3A = arith.constant 0 : i32
      %dma_start3A_73 = tpu.memref_slice %arg5[%scan3A_72, %dma_start3A] : memref<79x128xi32, #tpu.memory_space<vmem>> -> memref<1x128xi32, #tpu.memory_space<vmem>>
      %dma_start3A_74 = tpu.memref_squeeze %dma_start3A_73 : memref<1x128xi32, #tpu.memory_space<vmem>> -> memref<128xi32, #tpu.memory_space<vmem>>
      %dma_start3A_75 = arith.constant 0 : i32
      %dma_start3A_76 = tpu.memref_slice %arg8[%dma_start3A_75] : memref<5008xf32, #tpu.memory_space<vmem_shared>> -> memref<5008xf32, #tpu.memory_space<vmem_shared>>
      tpu.enqueue_indirect_dma source(%arg6 : memref<128xf32, #tpu.memory_space<vmem>>) target(%dma_start3A_76 : memref<5008xf32, #tpu.memory_space<vmem_shared>>) offsets(%dma_start3A_74 : memref<128xi32, #tpu.memory_space<vmem>>) semaphore(%arg9 : memref<!tpu.dma_semaphore, #tpu.memory_space<semaphore_mem>>) {add = true}
    }
    %scan3A_59 = arith.constant 79 : i32
    %scan3A_60 = arith.constant 0 : i32
    %scan3A_61 = arith.constant 0 : i32
    %scan3A_62 = arith.constant 79 : i32
    %scan3A_63 = arith.addi %scan3A_61, %scan3A_62 : i32
    %scan3A_64 = arith.constant 1 : i32
    scf.for %scan3A_72 = %scan3A_61 to %scan3A_63 step %scan3A_64  : i32 {
      %dma_wait3A = arith.constant 0 : i32
      %dma_wait3A_73 = arith.constant 0 : i32
      %dma_wait3A_74 = tpu.memref_slice %arg5[%dma_wait3A, %dma_wait3A_73] : memref<79x128xi32, #tpu.memory_space<vmem>> -> memref<1x128xi32, #tpu.memory_space<vmem>>
      %dma_wait3A_75 = tpu.memref_squeeze %dma_wait3A_74 : memref<1x128xi32, #tpu.memory_space<vmem>> -> memref<128xi32, #tpu.memory_space<vmem>>
      %dma_wait3A_76 = arith.constant 0 : i32
      %dma_wait3A_77 = tpu.memref_slice %arg8[%dma_wait3A_76] : memref<5008xf32, #tpu.memory_space<vmem_shared>> -> memref<5008xf32, #tpu.memory_space<vmem_shared>>
      tpu.wait_indirect_dma semaphore(%arg9 : memref<!tpu.dma_semaphore, #tpu.memory_space<semaphore_mem>>) src(%arg6 : memref<128xf32, #tpu.memory_space<vmem>>) dst(%dma_wait3A_77 : memref<5008xf32, #tpu.memory_space<vmem_shared>>)
    }
    %scan3A_65 = arith.constant 79 : i32
    %barrier3A_66 = arith.constant 0 : index
    tpu.barrier barrier_id(%barrier3A_66)
    %eq3A_67 = arith.constant 0 : i32
    %eq3A_68 = arith.cmpi eq, %arg1, %eq3A_67 : i32
    %convert_element_type3A_69 = arith.extui %eq3A_68 : i1 to i32
    %cond3A_70 = arith.constant 0 : i32
    %cond3A_71 = arith.cmpi ne, %convert_element_type3A_69, %cond3A_70 : i32
    scf.if %cond3A_71 {
      "tpu.region"() ({
        %run_scoped3A = tpu.sem_alloc : memref<!tpu.dma_semaphore, #tpu.memory_space<semaphore_mem>>
        %dma_start3A = arith.constant 0 : i32
        %dma_start3A_72 = tpu.memref_slice %arg3[%arg0, %dma_start3A] : memref<2x5008xf32, #tpu.memory_space<hbm>> -> memref<1x5008xf32, #tpu.memory_space<hbm>>
        %dma_start3A_73 = tpu.memref_squeeze %dma_start3A_72 : memref<1x5008xf32, #tpu.memory_space<hbm>> -> memref<5008xf32, #tpu.memory_space<hbm>>
        tpu.enqueue_dma source(%arg8 : memref<5008xf32, #tpu.memory_space<vmem_shared>>) target(%dma_start3A_73 : memref<5008xf32, #tpu.memory_space<hbm>>) target_semaphore(%run_scoped3A : memref<!tpu.dma_semaphore, #tpu.memory_space<semaphore_mem>>)
        %dma_wait3A = arith.constant 0 : i32
        %dma_wait3A_74 = tpu.memref_slice %arg3[%arg0, %dma_wait3A] : memref<2x5008xf32, #tpu.memory_space<hbm>> -> memref<1x5008xf32, #tpu.memory_space<hbm>>
        %dma_wait3A_75 = tpu.memref_squeeze %dma_wait3A_74 : memref<1x5008xf32, #tpu.memory_space<hbm>> -> memref<5008xf32, #tpu.memory_space<hbm>>
        tpu.wait_dma2 semaphore(%run_scoped3A : memref<!tpu.dma_semaphore, #tpu.memory_space<semaphore_mem>>) src(%arg8 : memref<5008xf32, #tpu.memory_space<vmem_shared>>) dst(%dma_wait3A_75 : memref<5008xf32, #tpu.memory_space<hbm>>)
        tpu.yield
      }) : () -> ()
    } else {
    }
    return
  }
}

module attributes {stable_mosaic.version = 14 : i64} {
  func.func @_phi_reduce_body(%arg0: i32, %arg1: memref<1x1x3200xi32, #tpu.memory_space<vmem>>, %arg2: memref<3200x256xf32, #tpu.memory_space<vmem>>, %arg3: memref<256x256xbf16, #tpu.memory_space<vmem>>, %arg4: memref<1x256xbf16, #tpu.memory_space<vmem>>, %arg5: memref<256x256xbf16, #tpu.memory_space<vmem>>, %arg6: memref<1x256xbf16, #tpu.memory_space<vmem>>, %arg7: memref<10000x256xf32, #tpu.memory_space<vmem>>) attributes {dimension_semantics = [#tpu.dimension_semantics<arbitrary>], iteration_bounds = array<i64: 50>, scalar_prefetch = 0 : i64, scratch_operands = 0 : i64, tpu.core_type = #tpu.core_type<tc>, window_params = [{transform_indices = @transform_0, window_bounds = array<i64: 1, 1, 3200>}, {transform_indices = @transform_1, window_bounds = array<i64: 3200, 256>}, {pipeline_mode = #tpu.pipeline_mode<synchronous>, transform_indices = @transform_2, window_bounds = array<i64: 256, 256>}, {pipeline_mode = #tpu.pipeline_mode<synchronous>, transform_indices = @transform_3, window_bounds = array<i64: 1, 256>}, {pipeline_mode = #tpu.pipeline_mode<synchronous>, transform_indices = @transform_4, window_bounds = array<i64: 256, 256>}, {pipeline_mode = #tpu.pipeline_mode<synchronous>, transform_indices = @transform_5, window_bounds = array<i64: 1, 256>}, {pipeline_mode = #tpu.pipeline_mode<synchronous>, transform_indices = @transform_6, window_bounds = array<i64: 10000, 256>}]} {
    %eq3A = arith.constant 0 : i32
    %eq3A_0 = arith.cmpi eq, %arg0, %eq3A : i32
    %convert_element_type3A = arith.extui %eq3A_0 : i1 to i32
    %cond3A = arith.constant 0 : i32
    %cond3A_1 = arith.cmpi ne, %convert_element_type3A, %cond3A : i32
    scf.if %cond3A_1 {
      %broadcast_in_dim3A_248 = arith.constant 0.000000e+00 : f32
      %broadcast_in_dim3A_249 = vector.broadcast %broadcast_in_dim3A_248 : f32 to vector<10000x256xf32>
      %swap3A_250 = arith.constant 0 : index
      %swap3A_251 = arith.constant 0 : index
      %swap3A_252 = vector.load %arg7[%swap3A_250, %swap3A_251] : memref<10000x256xf32, #tpu.memory_space<vmem>>, vector<10000x256xf32>
      tpu.vector_store %arg7[%swap3A_250, %swap3A_251], %broadcast_in_dim3A_249 {strides = array<i32>} : memref<10000x256xf32, #tpu.memory_space<vmem>>, vector<10000x256xf32>,
    } else {
    }
    %get3A = arith.constant 0 : index
    %get3A_2 = arith.constant 0 : index
    %get3A_3 = vector.load %arg2[%get3A, %get3A_2] : memref<3200x256xf32, #tpu.memory_space<vmem>>, vector<1600x256xf32>
    %convert_element_type3A_4 = arith.truncf %get3A_3 : vector<1600x256xf32> to vector<1600x256xbf16>
    %get3A_5 = arith.constant 0 : index
    %get3A_6 = arith.constant 0 : index
    %get3A_7 = vector.load %arg3[%get3A_5, %get3A_6] : memref<256x256xbf16, #tpu.memory_space<vmem>>, vector<256x256xbf16>
    %dot_general3A = arith.constant dense<0.000000e+00> : vector<1600x256xf32>
    %dot_general3A_8 = tpu.matmul %convert_element_type3A_4, %get3A_7, %dot_general3A {dimension_numbers = #tpu.dot_dimension_numbers<[1], [1], [0], [0], [0, 0, 1, 0], [], []>, transpose_lhs_hint = false} : vector<1600x256xbf16>, vector<256x256xbf16>, vector<1600x256xf32> -> vector<1600x256xf32>
    %convert_element_type3A_9 = arith.truncf %dot_general3A_8 : vector<1600x256xf32> to vector<1600x256xbf16>
    %get3A_10 = arith.constant 0 : index
    %get3A_11 = arith.constant 0 : index
    %get3A_12 = vector.load %arg4[%get3A_10, %get3A_11] : memref<1x256xbf16, #tpu.memory_space<vmem>>, vector<1x256xbf16>
    %add3A = vector.broadcast %get3A_12 : vector<1x256xbf16> to vector<1600x256xbf16>
    %add3A_13 = arith.addf %convert_element_type3A_9, %add3A : vector<1600x256xbf16>
    %max3A = arith.constant 0.000000e+00 : bf16
    %max3A_14 = vector.broadcast %max3A : bf16 to vector<1600x256xbf16>
    %max3A_15 = arith.maximumf %add3A_13, %max3A_14 : vector<1600x256xbf16>
    %get3A_16 = arith.constant 0 : index
    %get3A_17 = arith.constant 0 : index
    %get3A_18 = vector.load %arg5[%get3A_16, %get3A_17] : memref<256x256xbf16, #tpu.memory_space<vmem>>, vector<256x256xbf16>
    %dot_general3A_19 = arith.constant dense<0.000000e+00> : vector<1600x256xf32>
    %dot_general3A_20 = tpu.matmul %max3A_15, %get3A_18, %dot_general3A_19 {dimension_numbers = #tpu.dot_dimension_numbers<[1], [1], [0], [0], [0, 0, 1, 0], [], []>, transpose_lhs_hint = false} : vector<1600x256xbf16>, vector<256x256xbf16>, vector<1600x256xf32> -> vector<1600x256xf32>
    %convert_element_type3A_21 = arith.truncf %dot_general3A_20 : vector<1600x256xf32> to vector<1600x256xbf16>
    %get3A_22 = arith.constant 0 : index
    %get3A_23 = arith.constant 0 : index
    %get3A_24 = vector.load %arg6[%get3A_22, %get3A_23] : memref<1x256xbf16, #tpu.memory_space<vmem>>, vector<1x256xbf16>
    %add3A_25 = vector.broadcast %get3A_24 : vector<1x256xbf16> to vector<1600x256xbf16>
    %add3A_26 = arith.addf %convert_element_type3A_21, %add3A_25 : vector<1600x256xbf16>
    %max3A_27 = arith.constant 0.000000e+00 : bf16
    %max3A_28 = vector.broadcast %max3A_27 : bf16 to vector<1600x256xbf16>
    %max3A_29 = arith.maximumf %add3A_26, %max3A_28 : vector<1600x256xbf16>
    %get3A_30 = arith.constant 1600 : index
    %get3A_31 = arith.constant 0 : index
    %get3A_32 = vector.load %arg2[%get3A_30, %get3A_31] : memref<3200x256xf32, #tpu.memory_space<vmem>>, vector<1600x256xf32>
    %convert_element_type3A_33 = arith.truncf %get3A_32 : vector<1600x256xf32> to vector<1600x256xbf16>
    %get3A_34 = arith.constant 0 : index
    %get3A_35 = arith.constant 0 : index
    %get3A_36 = vector.load %arg3[%get3A_34, %get3A_35] : memref<256x256xbf16, #tpu.memory_space<vmem>>, vector<256x256xbf16>
    %dot_general3A_37 = arith.constant dense<0.000000e+00> : vector<1600x256xf32>
    %dot_general3A_38 = tpu.matmul %convert_element_type3A_33, %get3A_36, %dot_general3A_37 {dimension_numbers = #tpu.dot_dimension_numbers<[1], [1], [0], [0], [0, 0, 1, 0], [], []>, transpose_lhs_hint = false} : vector<1600x256xbf16>, vector<256x256xbf16>, vector<1600x256xf32> -> vector<1600x256xf32>
    %convert_element_type3A_39 = arith.truncf %dot_general3A_38 : vector<1600x256xf32> to vector<1600x256xbf16>
    %get3A_40 = arith.constant 0 : index
    %get3A_41 = arith.constant 0 : index
    %get3A_42 = vector.load %arg4[%get3A_40, %get3A_41] : memref<1x256xbf16, #tpu.memory_space<vmem>>, vector<1x256xbf16>
    %add3A_43 = vector.broadcast %get3A_42 : vector<1x256xbf16> to vector<1600x256xbf16>
    %add3A_44 = arith.addf %convert_element_type3A_39, %add3A_43 : vector<1600x256xbf16>
    %max3A_45 = arith.constant 0.000000e+00 : bf16
    %max3A_46 = vector.broadcast %max3A_45 : bf16 to vector<1600x256xbf16>
    %max3A_47 = arith.maximumf %add3A_44, %max3A_46 : vector<1600x256xbf16>
    %get3A_48 = arith.constant 0 : index
    %get3A_49 = arith.constant 0 : index
    %get3A_50 = vector.load %arg5[%get3A_48, %get3A_49] : memref<256x256xbf16, #tpu.memory_space<vmem>>, vector<256x256xbf16>
    %dot_general3A_51 = arith.constant dense<0.000000e+00> : vector<1600x256xf32>
    %dot_general3A_52 = tpu.matmul %max3A_47, %get3A_50, %dot_general3A_51 {dimension_numbers = #tpu.dot_dimension_numbers<[1], [1], [0], [0], [0, 0, 1, 0], [], []>, transpose_lhs_hint = false} : vector<1600x256xbf16>, vector<256x256xbf16>, vector<1600x256xf32> -> vector<1600x256xf32>
    %convert_element_type3A_53 = arith.truncf %dot_general3A_52 : vector<1600x256xf32> to vector<1600x256xbf16>
    %get3A_54 = arith.constant 0 : index
    %get3A_55 = arith.constant 0 : index
    %get3A_56 = vector.load %arg6[%get3A_54, %get3A_55] : memref<1x256xbf16, #tpu.memory_space<vmem>>, vector<1x256xbf16>
    %add3A_57 = vector.broadcast %get3A_56 : vector<1x256xbf16> to vector<1600x256xbf16>
    %add3A_58 = arith.addf %convert_element_type3A_53, %add3A_57 : vector<1600x256xbf16>
    %max3A_59 = arith.constant 0.000000e+00 : bf16
    %max3A_60 = vector.broadcast %max3A_59 : bf16 to vector<1600x256xbf16>
    %max3A_61 = arith.maximumf %add3A_58, %max3A_60 : vector<1600x256xbf16>
    %get3A_62 = arith.constant 0 : index
    %get3A_63 = arith.constant 0 : index
    %get3A_64 = arith.constant 0 : index
    %get3A_65 = vector.load %arg1[%get3A_62, %get3A_63, %get3A_64] : memref<1x1x3200xi32, #tpu.memory_space<vmem>>, vector<1x1x3200xi32>
    %get3A_66 = vector.shape_cast %get3A_65 : vector<1x1x3200xi32> to vector<1x3200xi32>
    %slice3A = vector.extract_strided_slice %get3A_66 {offsets = [0, 0], sizes = [1, 1600], strides = [1, 1]} : vector<1x3200xi32> to vector<1x1600xi32>
    %reduce_min3A = vector.shape_cast %slice3A : vector<1x1600xi32> to vector<1x1x1600xi32>
    %reduce_min3A_67 = arith.constant dense<2147483647> : vector<1xi32>
    %reduce_min3A_68 = vector.multi_reduction <minsi>, %reduce_min3A, %reduce_min3A_67 [1, 2] : vector<1x1x1600xi32> to vector<1xi32>
    %reduce_min3A_69 = vector.shape_cast %reduce_min3A_68 : vector<1xi32> to vector<1x1x1xi32>
    %reduce_min3A_70 = vector.extract %reduce_min3A_69[0, 0, 0] : i32 from vector<1x1x1xi32>
    %reduce_max3A = vector.shape_cast %slice3A : vector<1x1600xi32> to vector<1x1x1600xi32>
    %reduce_max3A_71 = arith.constant dense<-2147483648> : vector<1xi32>
    %reduce_max3A_72 = vector.multi_reduction <maxsi>, %reduce_max3A, %reduce_max3A_71 [1, 2] : vector<1x1x1600xi32> to vector<1xi32>
    %reduce_max3A_73 = vector.shape_cast %reduce_max3A_72 : vector<1xi32> to vector<1x1x1xi32>
    %reduce_max3A_74 = vector.extract %reduce_max3A_73[0, 0, 0] : i32 from vector<1x1x1xi32>
    %jit3A = arith.constant 8 : i32
    %div3A = arith.divsi %reduce_min3A_70, %jit3A : i32
    %sign3A = arith.constant 0 : i32
    %sign3A_75 = arith.cmpi sgt, %reduce_min3A_70, %sign3A : i32
    %sign3A_76 = arith.extui %sign3A_75 : i1 to i32
    %sign3A_77 = arith.constant 0 : i32
    %sign3A_78 = arith.cmpi slt, %reduce_min3A_70, %sign3A_77 : i32
    %sign3A_79 = arith.extui %sign3A_78 : i1 to i32
    %sign3A_80 = arith.subi %sign3A_76, %sign3A_79 : i32
    %sign3A_81 = arith.constant 0 : i32
    %sign3A_82 = arith.cmpi sgt, %jit3A, %sign3A_81 : i32
    %sign3A_83 = arith.extui %sign3A_82 : i1 to i32
    %sign3A_84 = arith.constant 0 : i32
    %sign3A_85 = arith.cmpi slt, %jit3A, %sign3A_84 : i32
    %sign3A_86 = arith.extui %sign3A_85 : i1 to i32
    %sign3A_87 = arith.subi %sign3A_83, %sign3A_86 : i32
    %ne3A = arith.cmpi ne, %sign3A_80, %sign3A_87 : i32
    %rem3A = arith.remsi %reduce_min3A_70, %jit3A : i32
    %ne3A_88 = arith.constant 0 : i32
    %ne3A_89 = arith.cmpi ne, %rem3A, %ne3A_88 : i32
    %and3A = arith.andi %ne3A, %ne3A_89 : i1
    %sub3A = arith.constant 1 : i32
    %sub3A_90 = arith.subi %div3A, %sub3A : i32
    %select_n3A = arith.select %and3A, %sub3A_90, %div3A : i32
    %mul3A = arith.constant 8 : i32
    %mul3A_91 = arith.muli %select_n3A, %mul3A : i32
    %min3A = arith.constant 9744 : i32
    %min3A_92 = arith.minsi %mul3A_91, %min3A : i32
    %iota3A = tpu.iota {dimensions = array<i32: 0>} : vector<256x1600xi32>
    %add3A_93 = vector.broadcast %min3A_92 : i32 to vector<256x1600xi32>
    %add3A_94 = arith.addi %iota3A, %add3A_93 : vector<256x1600xi32>
    %broadcast_in_dim3A = vector.shape_cast %slice3A : vector<1x1600xi32> to vector<1x1600xi32>
    %broadcast_in_dim3A_95 = vector.broadcast %broadcast_in_dim3A : vector<1x1600xi32> to vector<256x1600xi32>
    %eq3A_96 = arith.cmpi eq, %broadcast_in_dim3A_95, %add3A_94 : vector<256x1600xi32>
    %convert_element_type3A_97 = arith.extui %eq3A_96 : vector<256x1600xi1> to vector<256x1600xi32>
    %convert_element_type3A_98 = arith.sitofp %convert_element_type3A_97 : vector<256x1600xi32> to vector<256x1600xf32>
    %convert_element_type3A_99 = arith.truncf %convert_element_type3A_98 : vector<256x1600xf32> to vector<256x1600xbf16>
    %dot_general3A_100 = arith.constant dense<0.000000e+00> : vector<256x256xf32>
    %dot_general3A_101 = tpu.matmul %convert_element_type3A_99, %max3A_29, %dot_general3A_100 {dimension_numbers = #tpu.dot_dimension_numbers<[1], [0], [0], [1], [0, 0, 1, 1], [], []>, transpose_lhs_hint = false} : vector<256x1600xbf16>, vector<1600x256xbf16>, vector<256x256xf32> -> vector<256x256xf32>
    %get3A_102 = arith.index_cast %min3A_92 : i32 to index
    %get3A_103 = arith.constant 0 : index
    %get3A_104 = vector.load %arg7[%get3A_102, %get3A_103] : memref<10000x256xf32, #tpu.memory_space<vmem>>, vector<256x256xf32>
    %add3A_105 = arith.addf %get3A_104, %dot_general3A_101 : vector<256x256xf32>
    %swap3A = arith.index_cast %min3A_92 : i32 to index
    %swap3A_106 = arith.constant 0 : index
    %swap3A_107 = vector.load %arg7[%swap3A, %swap3A_106] : memref<10000x256xf32, #tpu.memory_space<vmem>>, vector<256x256xf32>
    tpu.vector_store %arg7[%swap3A, %swap3A_106], %add3A_105 {strides = array<i32>} : memref<10000x256xf32, #tpu.memory_space<vmem>>, vector<256x256xf32>,
    %add3A_108 = arith.constant 256 : i32
    %add3A_109 = arith.addi %min3A_92, %add3A_108 : i32
    %sub3A_110 = arith.subi %reduce_max3A_74, %add3A_109 : i32
    %add3A_111 = arith.constant 256 : i32
    %add3A_112 = arith.addi %sub3A_110, %add3A_111 : i32
    %jit3A_113 = arith.constant 256 : i32
    %div3A_114 = arith.divsi %add3A_112, %jit3A_113 : i32
    %sign3A_115 = arith.constant 0 : i32
    %sign3A_116 = arith.cmpi sgt, %add3A_112, %sign3A_115 : i32
    %sign3A_117 = arith.extui %sign3A_116 : i1 to i32
    %sign3A_118 = arith.constant 0 : i32
    %sign3A_119 = arith.cmpi slt, %add3A_112, %sign3A_118 : i32
    %sign3A_120 = arith.extui %sign3A_119 : i1 to i32
    %sign3A_121 = arith.subi %sign3A_117, %sign3A_120 : i32
    %sign3A_122 = arith.constant 0 : i32
    %sign3A_123 = arith.cmpi sgt, %jit3A_113, %sign3A_122 : i32
    %sign3A_124 = arith.extui %sign3A_123 : i1 to i32
    %sign3A_125 = arith.constant 0 : i32
    %sign3A_126 = arith.cmpi slt, %jit3A_113, %sign3A_125 : i32
    %sign3A_127 = arith.extui %sign3A_126 : i1 to i32
    %sign3A_128 = arith.subi %sign3A_124, %sign3A_127 : i32
    %ne3A_129 = arith.cmpi ne, %sign3A_121, %sign3A_128 : i32
    %rem3A_130 = arith.remsi %add3A_112, %jit3A_113 : i32
    %ne3A_131 = arith.constant 0 : i32
    %ne3A_132 = arith.cmpi ne, %rem3A_130, %ne3A_131 : i32
    %and3A_133 = arith.andi %ne3A_129, %ne3A_132 : i1
    %sub3A_134 = arith.constant 1 : i32
    %sub3A_135 = arith.subi %div3A_114, %sub3A_134 : i32
    %select_n3A_136 = arith.select %and3A_133, %sub3A_135, %div3A_114 : i32
    %max3A_137 = arith.constant 0 : i32
    %max3A_138 = arith.maxsi %max3A_137, %select_n3A_136 : i32
    %while3A = arith.constant 0 : i32
    %while3A_139 = arith.subi %max3A_138, %while3A : i32
    %while3A_140 = arith.addi %while3A, %while3A_139 : i32
    %while3A_141 = arith.constant 1 : i32
    %while3A_142 = arith.divsi %while3A_139, %while3A_141 : i32
    %while3A_143 = arith.muli %while3A_142, %while3A_141 : i32
    %while3A_144 = arith.addi %while3A, %while3A_143 : i32
    %while3A_145 = arith.constant 1 : i32
    %while3A_146 = scf.for %while3A_248 = %while3A to %while3A_144 step %while3A_145 iter_args(%while3A_249 = %add3A_109) -> (i32)  : i32 {
      %jit3A_250 = arith.constant 8 : i32
      %div3A_251 = arith.divsi %while3A_249, %jit3A_250 : i32
      %sign3A_252 = arith.constant 0 : i32
      %sign3A_253 = arith.cmpi sgt, %while3A_249, %sign3A_252 : i32
      %sign3A_254 = arith.extui %sign3A_253 : i1 to i32
      %sign3A_255 = arith.constant 0 : i32
      %sign3A_256 = arith.cmpi slt, %while3A_249, %sign3A_255 : i32
      %sign3A_257 = arith.extui %sign3A_256 : i1 to i32
      %sign3A_258 = arith.subi %sign3A_254, %sign3A_257 : i32
      %sign3A_259 = arith.constant 0 : i32
      %sign3A_260 = arith.cmpi sgt, %jit3A_250, %sign3A_259 : i32
      %sign3A_261 = arith.extui %sign3A_260 : i1 to i32
      %sign3A_262 = arith.constant 0 : i32
      %sign3A_263 = arith.cmpi slt, %jit3A_250, %sign3A_262 : i32
      %sign3A_264 = arith.extui %sign3A_263 : i1 to i32
      %sign3A_265 = arith.subi %sign3A_261, %sign3A_264 : i32
      %ne3A_266 = arith.cmpi ne, %sign3A_258, %sign3A_265 : i32
      %rem3A_267 = arith.remsi %while3A_249, %jit3A_250 : i32
      %ne3A_268 = arith.constant 0 : i32
      %ne3A_269 = arith.cmpi ne, %rem3A_267, %ne3A_268 : i32
      %and3A_270 = arith.andi %ne3A_266, %ne3A_269 : i1
      %sub3A_271 = arith.constant 1 : i32
      %sub3A_272 = arith.subi %div3A_251, %sub3A_271 : i32
      %select_n3A_273 = arith.select %and3A_270, %sub3A_272, %div3A_251 : i32
      %mul3A_274 = arith.constant 8 : i32
      %mul3A_275 = arith.muli %select_n3A_273, %mul3A_274 : i32
      %min3A_276 = arith.constant 9744 : i32
      %min3A_277 = arith.minsi %mul3A_275, %min3A_276 : i32
      %iota3A_278 = tpu.iota {dimensions = array<i32: 0>} : vector<256x1600xi32>
      %add3A_279 = vector.broadcast %min3A_277 : i32 to vector<256x1600xi32>
      %add3A_280 = arith.addi %iota3A_278, %add3A_279 : vector<256x1600xi32>
      %broadcast_in_dim3A_281 = vector.shape_cast %slice3A : vector<1x1600xi32> to vector<1x1600xi32>
      %broadcast_in_dim3A_282 = vector.broadcast %broadcast_in_dim3A_281 : vector<1x1600xi32> to vector<256x1600xi32>
      %eq3A_283 = arith.cmpi eq, %broadcast_in_dim3A_282, %add3A_280 : vector<256x1600xi32>
      %ge3A = vector.broadcast %while3A_249 : i32 to vector<256x1600xi32>
      %ge3A_284 = arith.cmpi sge, %broadcast_in_dim3A_282, %ge3A : vector<256x1600xi32>
      %and3A_285 = arith.andi %eq3A_283, %ge3A_284 : vector<256x1600xi1>
      %convert_element_type3A_286 = arith.extui %and3A_285 : vector<256x1600xi1> to vector<256x1600xi32>
      %convert_element_type3A_287 = arith.sitofp %convert_element_type3A_286 : vector<256x1600xi32> to vector<256x1600xf32>
      %convert_element_type3A_288 = arith.truncf %convert_element_type3A_287 : vector<256x1600xf32> to vector<256x1600xbf16>
      %dot_general3A_289 = arith.constant dense<0.000000e+00> : vector<256x256xf32>
      %dot_general3A_290 = tpu.matmul %convert_element_type3A_288, %max3A_29, %dot_general3A_289 {dimension_numbers = #tpu.dot_dimension_numbers<[1], [0], [0], [1], [0, 0, 1, 1], [], []>, transpose_lhs_hint = false} : vector<256x1600xbf16>, vector<1600x256xbf16>, vector<256x256xf32> -> vector<256x256xf32>
      %get3A_291 = arith.index_cast %min3A_277 : i32 to index
      %get3A_292 = arith.constant 0 : index
      %get3A_293 = vector.load %arg7[%get3A_291, %get3A_292] : memref<10000x256xf32, #tpu.memory_space<vmem>>, vector<256x256xf32>
      %add3A_294 = arith.addf %get3A_293, %dot_general3A_290 : vector<256x256xf32>
      %swap3A_295 = arith.index_cast %min3A_277 : i32 to index
      %swap3A_296 = arith.constant 0 : index
      %swap3A_297 = vector.load %arg7[%swap3A_295, %swap3A_296] : memref<10000x256xf32, #tpu.memory_space<vmem>>, vector<256x256xf32>
      tpu.vector_store %arg7[%swap3A_295, %swap3A_296], %add3A_294 {strides = array<i32>} : memref<10000x256xf32, #tpu.memory_space<vmem>>, vector<256x256xf32>,
      %add3A_298 = arith.constant 256 : i32
      %add3A_299 = arith.addi %min3A_277, %add3A_298 : i32
      scf.yield %add3A_299 : i32
    }
    %while3A_147 = arith.constant 1 : i32
    %while3A_148 = scf.for %while3A_248 = %while3A_144 to %while3A_140 step %while3A_147 iter_args(%while3A_249 = %while3A_146) -> (i32)  : i32 {
      %jit3A_250 = arith.constant 8 : i32
      %div3A_251 = arith.divsi %while3A_249, %jit3A_250 : i32
      %sign3A_252 = arith.constant 0 : i32
      %sign3A_253 = arith.cmpi sgt, %while3A_249, %sign3A_252 : i32
      %sign3A_254 = arith.extui %sign3A_253 : i1 to i32
      %sign3A_255 = arith.constant 0 : i32
      %sign3A_256 = arith.cmpi slt, %while3A_249, %sign3A_255 : i32
      %sign3A_257 = arith.extui %sign3A_256 : i1 to i32
      %sign3A_258 = arith.subi %sign3A_254, %sign3A_257 : i32
      %sign3A_259 = arith.constant 0 : i32
      %sign3A_260 = arith.cmpi sgt, %jit3A_250, %sign3A_259 : i32
      %sign3A_261 = arith.extui %sign3A_260 : i1 to i32
      %sign3A_262 = arith.constant 0 : i32
      %sign3A_263 = arith.cmpi slt, %jit3A_250, %sign3A_262 : i32
      %sign3A_264 = arith.extui %sign3A_263 : i1 to i32
      %sign3A_265 = arith.subi %sign3A_261, %sign3A_264 : i32
      %ne3A_266 = arith.cmpi ne, %sign3A_258, %sign3A_265 : i32
      %rem3A_267 = arith.remsi %while3A_249, %jit3A_250 : i32
      %ne3A_268 = arith.constant 0 : i32
      %ne3A_269 = arith.cmpi ne, %rem3A_267, %ne3A_268 : i32
      %and3A_270 = arith.andi %ne3A_266, %ne3A_269 : i1
      %sub3A_271 = arith.constant 1 : i32
      %sub3A_272 = arith.subi %div3A_251, %sub3A_271 : i32
      %select_n3A_273 = arith.select %and3A_270, %sub3A_272, %div3A_251 : i32
      %mul3A_274 = arith.constant 8 : i32
      %mul3A_275 = arith.muli %select_n3A_273, %mul3A_274 : i32
      %min3A_276 = arith.constant 9744 : i32
      %min3A_277 = arith.minsi %mul3A_275, %min3A_276 : i32
      %iota3A_278 = tpu.iota {dimensions = array<i32: 0>} : vector<256x1600xi32>
      %add3A_279 = vector.broadcast %min3A_277 : i32 to vector<256x1600xi32>
      %add3A_280 = arith.addi %iota3A_278, %add3A_279 : vector<256x1600xi32>
      %broadcast_in_dim3A_281 = vector.shape_cast %slice3A : vector<1x1600xi32> to vector<1x1600xi32>
      %broadcast_in_dim3A_282 = vector.broadcast %broadcast_in_dim3A_281 : vector<1x1600xi32> to vector<256x1600xi32>
      %eq3A_283 = arith.cmpi eq, %broadcast_in_dim3A_282, %add3A_280 : vector<256x1600xi32>
      %ge3A = vector.broadcast %while3A_249 : i32 to vector<256x1600xi32>
      %ge3A_284 = arith.cmpi sge, %broadcast_in_dim3A_282, %ge3A : vector<256x1600xi32>
      %and3A_285 = arith.andi %eq3A_283, %ge3A_284 : vector<256x1600xi1>
      %convert_element_type3A_286 = arith.extui %and3A_285 : vector<256x1600xi1> to vector<256x1600xi32>
      %convert_element_type3A_287 = arith.sitofp %convert_element_type3A_286 : vector<256x1600xi32> to vector<256x1600xf32>
      %convert_element_type3A_288 = arith.truncf %convert_element_type3A_287 : vector<256x1600xf32> to vector<256x1600xbf16>
      %dot_general3A_289 = arith.constant dense<0.000000e+00> : vector<256x256xf32>
      %dot_general3A_290 = tpu.matmul %convert_element_type3A_288, %max3A_29, %dot_general3A_289 {dimension_numbers = #tpu.dot_dimension_numbers<[1], [0], [0], [1], [0, 0, 1, 1], [], []>, transpose_lhs_hint = false} : vector<256x1600xbf16>, vector<1600x256xbf16>, vector<256x256xf32> -> vector<256x256xf32>
      %get3A_291 = arith.index_cast %min3A_277 : i32 to index
      %get3A_292 = arith.constant 0 : index
      %get3A_293 = vector.load %arg7[%get3A_291, %get3A_292] : memref<10000x256xf32, #tpu.memory_space<vmem>>, vector<256x256xf32>
      %add3A_294 = arith.addf %get3A_293, %dot_general3A_290 : vector<256x256xf32>
      %swap3A_295 = arith.index_cast %min3A_277 : i32 to index
      %swap3A_296 = arith.constant 0 : index
      %swap3A_297 = vector.load %arg7[%swap3A_295, %swap3A_296] : memref<10000x256xf32, #tpu.memory_space<vmem>>, vector<256x256xf32>
      tpu.vector_store %arg7[%swap3A_295, %swap3A_296], %add3A_294 {strides = array<i32>} : memref<10000x256xf32, #tpu.memory_space<vmem>>, vector<256x256xf32>,
      %add3A_298 = arith.constant 256 : i32
      %add3A_299 = arith.addi %min3A_277, %add3A_298 : i32
      scf.yield %add3A_299 : i32
    }
    %slice3A_149 = vector.extract_strided_slice %get3A_66 {offsets = [0, 1600], sizes = [1, 1600], strides = [1, 1]} : vector<1x3200xi32> to vector<1x1600xi32>
    %reduce_min3A_150 = vector.shape_cast %slice3A_149 : vector<1x1600xi32> to vector<1x1x1600xi32>
    %reduce_min3A_151 = arith.constant dense<2147483647> : vector<1xi32>
    %reduce_min3A_152 = vector.multi_reduction <minsi>, %reduce_min3A_150, %reduce_min3A_151 [1, 2] : vector<1x1x1600xi32> to vector<1xi32>
    %reduce_min3A_153 = vector.shape_cast %reduce_min3A_152 : vector<1xi32> to vector<1x1x1xi32>
    %reduce_min3A_154 = vector.extract %reduce_min3A_153[0, 0, 0] : i32 from vector<1x1x1xi32>
    %reduce_max3A_155 = vector.shape_cast %slice3A_149 : vector<1x1600xi32> to vector<1x1x1600xi32>
    %reduce_max3A_156 = arith.constant dense<-2147483648> : vector<1xi32>
    %reduce_max3A_157 = vector.multi_reduction <maxsi>, %reduce_max3A_155, %reduce_max3A_156 [1, 2] : vector<1x1x1600xi32> to vector<1xi32>
    %reduce_max3A_158 = vector.shape_cast %reduce_max3A_157 : vector<1xi32> to vector<1x1x1xi32>
    %reduce_max3A_159 = vector.extract %reduce_max3A_158[0, 0, 0] : i32 from vector<1x1x1xi32>
    %jit3A_160 = arith.constant 8 : i32
    %div3A_161 = arith.divsi %reduce_min3A_154, %jit3A_160 : i32
    %sign3A_162 = arith.constant 0 : i32
    %sign3A_163 = arith.cmpi sgt, %reduce_min3A_154, %sign3A_162 : i32
    %sign3A_164 = arith.extui %sign3A_163 : i1 to i32
    %sign3A_165 = arith.constant 0 : i32
    %sign3A_166 = arith.cmpi slt, %reduce_min3A_154, %sign3A_165 : i32
    %sign3A_167 = arith.extui %sign3A_166 : i1 to i32
    %sign3A_168 = arith.subi %sign3A_164, %sign3A_167 : i32
    %sign3A_169 = arith.constant 0 : i32
    %sign3A_170 = arith.cmpi sgt, %jit3A_160, %sign3A_169 : i32
    %sign3A_171 = arith.extui %sign3A_170 : i1 to i32
    %sign3A_172 = arith.constant 0 : i32
    %sign3A_173 = arith.cmpi slt, %jit3A_160, %sign3A_172 : i32
    %sign3A_174 = arith.extui %sign3A_173 : i1 to i32
    %sign3A_175 = arith.subi %sign3A_171, %sign3A_174 : i32
    %ne3A_176 = arith.cmpi ne, %sign3A_168, %sign3A_175 : i32
    %rem3A_177 = arith.remsi %reduce_min3A_154, %jit3A_160 : i32
    %ne3A_178 = arith.constant 0 : i32
    %ne3A_179 = arith.cmpi ne, %rem3A_177, %ne3A_178 : i32
    %and3A_180 = arith.andi %ne3A_176, %ne3A_179 : i1
    %sub3A_181 = arith.constant 1 : i32
    %sub3A_182 = arith.subi %div3A_161, %sub3A_181 : i32
    %select_n3A_183 = arith.select %and3A_180, %sub3A_182, %div3A_161 : i32
    %mul3A_184 = arith.constant 8 : i32
    %mul3A_185 = arith.muli %select_n3A_183, %mul3A_184 : i32
    %min3A_186 = arith.constant 9744 : i32
    %min3A_187 = arith.minsi %mul3A_185, %min3A_186 : i32
    %iota3A_188 = tpu.iota {dimensions = array<i32: 0>} : vector<256x1600xi32>
    %add3A_189 = vector.broadcast %min3A_187 : i32 to vector<256x1600xi32>
    %add3A_190 = arith.addi %iota3A_188, %add3A_189 : vector<256x1600xi32>
    %broadcast_in_dim3A_191 = vector.shape_cast %slice3A_149 : vector<1x1600xi32> to vector<1x1600xi32>
    %broadcast_in_dim3A_192 = vector.broadcast %broadcast_in_dim3A_191 : vector<1x1600xi32> to vector<256x1600xi32>
    %eq3A_193 = arith.cmpi eq, %broadcast_in_dim3A_192, %add3A_190 : vector<256x1600xi32>
    %convert_element_type3A_194 = arith.extui %eq3A_193 : vector<256x1600xi1> to vector<256x1600xi32>
    %convert_element_type3A_195 = arith.sitofp %convert_element_type3A_194 : vector<256x1600xi32> to vector<256x1600xf32>
    %convert_element_type3A_196 = arith.truncf %convert_element_type3A_195 : vector<256x1600xf32> to vector<256x1600xbf16>
    %dot_general3A_197 = arith.constant dense<0.000000e+00> : vector<256x256xf32>
    %dot_general3A_198 = tpu.matmul %convert_element_type3A_196, %max3A_61, %dot_general3A_197 {dimension_numbers = #tpu.dot_dimension_numbers<[1], [0], [0], [1], [0, 0, 1, 1], [], []>, transpose_lhs_hint = false} : vector<256x1600xbf16>, vector<1600x256xbf16>, vector<256x256xf32> -> vector<256x256xf32>
    %get3A_199 = arith.index_cast %min3A_187 : i32 to index
    %get3A_200 = arith.constant 0 : index
    %get3A_201 = vector.load %arg7[%get3A_199, %get3A_200] : memref<10000x256xf32, #tpu.memory_space<vmem>>, vector<256x256xf32>
    %add3A_202 = arith.addf %get3A_201, %dot_general3A_198 : vector<256x256xf32>
    %swap3A_203 = arith.index_cast %min3A_187 : i32 to index
    %swap3A_204 = arith.constant 0 : index
    %swap3A_205 = vector.load %arg7[%swap3A_203, %swap3A_204] : memref<10000x256xf32, #tpu.memory_space<vmem>>, vector<256x256xf32>
    tpu.vector_store %arg7[%swap3A_203, %swap3A_204], %add3A_202 {strides = array<i32>} : memref<10000x256xf32, #tpu.memory_space<vmem>>, vector<256x256xf32>,
    %add3A_206 = arith.constant 256 : i32
    %add3A_207 = arith.addi %min3A_187, %add3A_206 : i32
    %sub3A_208 = arith.subi %reduce_max3A_159, %add3A_207 : i32
    %add3A_209 = arith.constant 256 : i32
    %add3A_210 = arith.addi %sub3A_208, %add3A_209 : i32
    %jit3A_211 = arith.constant 256 : i32
    %div3A_212 = arith.divsi %add3A_210, %jit3A_211 : i32
    %sign3A_213 = arith.constant 0 : i32
    %sign3A_214 = arith.cmpi sgt, %add3A_210, %sign3A_213 : i32
    %sign3A_215 = arith.extui %sign3A_214 : i1 to i32
    %sign3A_216 = arith.constant 0 : i32
    %sign3A_217 = arith.cmpi slt, %add3A_210, %sign3A_216 : i32
    %sign3A_218 = arith.extui %sign3A_217 : i1 to i32
    %sign3A_219 = arith.subi %sign3A_215, %sign3A_218 : i32
    %sign3A_220 = arith.constant 0 : i32
    %sign3A_221 = arith.cmpi sgt, %jit3A_211, %sign3A_220 : i32
    %sign3A_222 = arith.extui %sign3A_221 : i1 to i32
    %sign3A_223 = arith.constant 0 : i32
    %sign3A_224 = arith.cmpi slt, %jit3A_211, %sign3A_223 : i32
    %sign3A_225 = arith.extui %sign3A_224 : i1 to i32
    %sign3A_226 = arith.subi %sign3A_222, %sign3A_225 : i32
    %ne3A_227 = arith.cmpi ne, %sign3A_219, %sign3A_226 : i32
    %rem3A_228 = arith.remsi %add3A_210, %jit3A_211 : i32
    %ne3A_229 = arith.constant 0 : i32
    %ne3A_230 = arith.cmpi ne, %rem3A_228, %ne3A_229 : i32
    %and3A_231 = arith.andi %ne3A_227, %ne3A_230 : i1
    %sub3A_232 = arith.constant 1 : i32
    %sub3A_233 = arith.subi %div3A_212, %sub3A_232 : i32
    %select_n3A_234 = arith.select %and3A_231, %sub3A_233, %div3A_212 : i32
    %max3A_235 = arith.constant 0 : i32
    %max3A_236 = arith.maxsi %max3A_235, %select_n3A_234 : i32
    %while3A_237 = arith.constant 0 : i32
    %while3A_238 = arith.subi %max3A_236, %while3A_237 : i32
    %while3A_239 = arith.addi %while3A_237, %while3A_238 : i32
    %while3A_240 = arith.constant 1 : i32
    %while3A_241 = arith.divsi %while3A_238, %while3A_240 : i32
    %while3A_242 = arith.muli %while3A_241, %while3A_240 : i32
    %while3A_243 = arith.addi %while3A_237, %while3A_242 : i32
    %while3A_244 = arith.constant 1 : i32
    %while3A_245 = scf.for %while3A_248 = %while3A_237 to %while3A_243 step %while3A_244 iter_args(%while3A_249 = %add3A_207) -> (i32)  : i32 {
      %jit3A_250 = arith.constant 8 : i32
      %div3A_251 = arith.divsi %while3A_249, %jit3A_250 : i32
      %sign3A_252 = arith.constant 0 : i32
      %sign3A_253 = arith.cmpi sgt, %while3A_249, %sign3A_252 : i32
      %sign3A_254 = arith.extui %sign3A_253 : i1 to i32
      %sign3A_255 = arith.constant 0 : i32
      %sign3A_256 = arith.cmpi slt, %while3A_249, %sign3A_255 : i32
      %sign3A_257 = arith.extui %sign3A_256 : i1 to i32
      %sign3A_258 = arith.subi %sign3A_254, %sign3A_257 : i32
      %sign3A_259 = arith.constant 0 : i32
      %sign3A_260 = arith.cmpi sgt, %jit3A_250, %sign3A_259 : i32
      %sign3A_261 = arith.extui %sign3A_260 : i1 to i32
      %sign3A_262 = arith.constant 0 : i32
      %sign3A_263 = arith.cmpi slt, %jit3A_250, %sign3A_262 : i32
      %sign3A_264 = arith.extui %sign3A_263 : i1 to i32
      %sign3A_265 = arith.subi %sign3A_261, %sign3A_264 : i32
      %ne3A_266 = arith.cmpi ne, %sign3A_258, %sign3A_265 : i32
      %rem3A_267 = arith.remsi %while3A_249, %jit3A_250 : i32
      %ne3A_268 = arith.constant 0 : i32
      %ne3A_269 = arith.cmpi ne, %rem3A_267, %ne3A_268 : i32
      %and3A_270 = arith.andi %ne3A_266, %ne3A_269 : i1
      %sub3A_271 = arith.constant 1 : i32
      %sub3A_272 = arith.subi %div3A_251, %sub3A_271 : i32
      %select_n3A_273 = arith.select %and3A_270, %sub3A_272, %div3A_251 : i32
      %mul3A_274 = arith.constant 8 : i32
      %mul3A_275 = arith.muli %select_n3A_273, %mul3A_274 : i32
      %min3A_276 = arith.constant 9744 : i32
      %min3A_277 = arith.minsi %mul3A_275, %min3A_276 : i32
      %iota3A_278 = tpu.iota {dimensions = array<i32: 0>} : vector<256x1600xi32>
      %add3A_279 = vector.broadcast %min3A_277 : i32 to vector<256x1600xi32>
      %add3A_280 = arith.addi %iota3A_278, %add3A_279 : vector<256x1600xi32>
      %broadcast_in_dim3A_281 = vector.shape_cast %slice3A_149 : vector<1x1600xi32> to vector<1x1600xi32>
      %broadcast_in_dim3A_282 = vector.broadcast %broadcast_in_dim3A_281 : vector<1x1600xi32> to vector<256x1600xi32>
      %eq3A_283 = arith.cmpi eq, %broadcast_in_dim3A_282, %add3A_280 : vector<256x1600xi32>
      %ge3A = vector.broadcast %while3A_249 : i32 to vector<256x1600xi32>
      %ge3A_284 = arith.cmpi sge, %broadcast_in_dim3A_282, %ge3A : vector<256x1600xi32>
      %and3A_285 = arith.andi %eq3A_283, %ge3A_284 : vector<256x1600xi1>
      %convert_element_type3A_286 = arith.extui %and3A_285 : vector<256x1600xi1> to vector<256x1600xi32>
      %convert_element_type3A_287 = arith.sitofp %convert_element_type3A_286 : vector<256x1600xi32> to vector<256x1600xf32>
      %convert_element_type3A_288 = arith.truncf %convert_element_type3A_287 : vector<256x1600xf32> to vector<256x1600xbf16>
      %dot_general3A_289 = arith.constant dense<0.000000e+00> : vector<256x256xf32>
      %dot_general3A_290 = tpu.matmul %convert_element_type3A_288, %max3A_61, %dot_general3A_289 {dimension_numbers = #tpu.dot_dimension_numbers<[1], [0], [0], [1], [0, 0, 1, 1], [], []>, transpose_lhs_hint = false} : vector<256x1600xbf16>, vector<1600x256xbf16>, vector<256x256xf32> -> vector<256x256xf32>
      %get3A_291 = arith.index_cast %min3A_277 : i32 to index
      %get3A_292 = arith.constant 0 : index
      %get3A_293 = vector.load %arg7[%get3A_291, %get3A_292] : memref<10000x256xf32, #tpu.memory_space<vmem>>, vector<256x256xf32>
      %add3A_294 = arith.addf %get3A_293, %dot_general3A_290 : vector<256x256xf32>
      %swap3A_295 = arith.index_cast %min3A_277 : i32 to index
      %swap3A_296 = arith.constant 0 : index
      %swap3A_297 = vector.load %arg7[%swap3A_295, %swap3A_296] : memref<10000x256xf32, #tpu.memory_space<vmem>>, vector<256x256xf32>
      tpu.vector_store %arg7[%swap3A_295, %swap3A_296], %add3A_294 {strides = array<i32>} : memref<10000x256xf32, #tpu.memory_space<vmem>>, vector<256x256xf32>,
      %add3A_298 = arith.constant 256 : i32
      %add3A_299 = arith.addi %min3A_277, %add3A_298 : i32
      scf.yield %add3A_299 : i32
    }
    %while3A_246 = arith.constant 1 : i32
    %while3A_247 = scf.for %while3A_248 = %while3A_243 to %while3A_239 step %while3A_246 iter_args(%while3A_249 = %while3A_245) -> (i32)  : i32 {
      %jit3A_250 = arith.constant 8 : i32
      %div3A_251 = arith.divsi %while3A_249, %jit3A_250 : i32
      %sign3A_252 = arith.constant 0 : i32
      %sign3A_253 = arith.cmpi sgt, %while3A_249, %sign3A_252 : i32
      %sign3A_254 = arith.extui %sign3A_253 : i1 to i32
      %sign3A_255 = arith.constant 0 : i32
      %sign3A_256 = arith.cmpi slt, %while3A_249, %sign3A_255 : i32
      %sign3A_257 = arith.extui %sign3A_256 : i1 to i32
      %sign3A_258 = arith.subi %sign3A_254, %sign3A_257 : i32
      %sign3A_259 = arith.constant 0 : i32
      %sign3A_260 = arith.cmpi sgt, %jit3A_250, %sign3A_259 : i32
      %sign3A_261 = arith.extui %sign3A_260 : i1 to i32
      %sign3A_262 = arith.constant 0 : i32
      %sign3A_263 = arith.cmpi slt, %jit3A_250, %sign3A_262 : i32
      %sign3A_264 = arith.extui %sign3A_263 : i1 to i32
      %sign3A_265 = arith.subi %sign3A_261, %sign3A_264 : i32
      %ne3A_266 = arith.cmpi ne, %sign3A_258, %sign3A_265 : i32
      %rem3A_267 = arith.remsi %while3A_249, %jit3A_250 : i32
      %ne3A_268 = arith.constant 0 : i32
      %ne3A_269 = arith.cmpi ne, %rem3A_267, %ne3A_268 : i32
      %and3A_270 = arith.andi %ne3A_266, %ne3A_269 : i1
      %sub3A_271 = arith.constant 1 : i32
      %sub3A_272 = arith.subi %div3A_251, %sub3A_271 : i32
      %select_n3A_273 = arith.select %and3A_270, %sub3A_272, %div3A_251 : i32
      %mul3A_274 = arith.constant 8 : i32
      %mul3A_275 = arith.muli %select_n3A_273, %mul3A_274 : i32
      %min3A_276 = arith.constant 9744 : i32
      %min3A_277 = arith.minsi %mul3A_275, %min3A_276 : i32
      %iota3A_278 = tpu.iota {dimensions = array<i32: 0>} : vector<256x1600xi32>
      %add3A_279 = vector.broadcast %min3A_277 : i32 to vector<256x1600xi32>
      %add3A_280 = arith.addi %iota3A_278, %add3A_279 : vector<256x1600xi32>
      %broadcast_in_dim3A_281 = vector.shape_cast %slice3A_149 : vector<1x1600xi32> to vector<1x1600xi32>
      %broadcast_in_dim3A_282 = vector.broadcast %broadcast_in_dim3A_281 : vector<1x1600xi32> to vector<256x1600xi32>
      %eq3A_283 = arith.cmpi eq, %broadcast_in_dim3A_282, %add3A_280 : vector<256x1600xi32>
      %ge3A = vector.broadcast %while3A_249 : i32 to vector<256x1600xi32>
      %ge3A_284 = arith.cmpi sge, %broadcast_in_dim3A_282, %ge3A : vector<256x1600xi32>
      %and3A_285 = arith.andi %eq3A_283, %ge3A_284 : vector<256x1600xi1>
      %convert_element_type3A_286 = arith.extui %and3A_285 : vector<256x1600xi1> to vector<256x1600xi32>
      %convert_element_type3A_287 = arith.sitofp %convert_element_type3A_286 : vector<256x1600xi32> to vector<256x1600xf32>
      %convert_element_type3A_288 = arith.truncf %convert_element_type3A_287 : vector<256x1600xf32> to vector<256x1600xbf16>
      %dot_general3A_289 = arith.constant dense<0.000000e+00> : vector<256x256xf32>
      %dot_general3A_290 = tpu.matmul %convert_element_type3A_288, %max3A_61, %dot_general3A_289 {dimension_numbers = #tpu.dot_dimension_numbers<[1], [0], [0], [1], [0, 0, 1, 1], [], []>, transpose_lhs_hint = false} : vector<256x1600xbf16>, vector<1600x256xbf16>, vector<256x256xf32> -> vector<256x256xf32>
      %get3A_291 = arith.index_cast %min3A_277 : i32 to index
      %get3A_292 = arith.constant 0 : index
      %get3A_293 = vector.load %arg7[%get3A_291, %get3A_292] : memref<10000x256xf32, #tpu.memory_space<vmem>>, vector<256x256xf32>
      %add3A_294 = arith.addf %get3A_293, %dot_general3A_290 : vector<256x256xf32>
      %swap3A_295 = arith.index_cast %min3A_277 : i32 to index
      %swap3A_296 = arith.constant 0 : index
      %swap3A_297 = vector.load %arg7[%swap3A_295, %swap3A_296] : memref<10000x256xf32, #tpu.memory_space<vmem>>, vector<256x256xf32>
      tpu.vector_store %arg7[%swap3A_295, %swap3A_296], %add3A_294 {strides = array<i32>} : memref<10000x256xf32, #tpu.memory_space<vmem>>, vector<256x256xf32>,
      %add3A_298 = arith.constant 256 : i32
      %add3A_299 = arith.addi %min3A_277, %add3A_298 : i32
      scf.yield %add3A_299 : i32
    }
    return
  }
  func.func @transform_0(%arg0: i32) -> (i32, i32, i32) {
    %c0_i32 = arith.constant 0 : i32
    %c0_i32_0 = arith.constant 0 : i32
    %c0_i32_1 = arith.constant 0 : i32
    return %arg0, %c0_i32, %c0_i32_0 : i32, i32, i32
  }
  func.func @transform_1(%arg0: i32) -> (i32, i32) {
    %c0_i32 = arith.constant 0 : i32
    %c0_i32_0 = arith.constant 0 : i32
    return %arg0, %c0_i32 : i32, i32
  }
  func.func @transform_2(%arg0: i32) -> (i32, i32) {
    %c0_i32 = arith.constant 0 : i32
    %c0_i32_0 = arith.constant 0 : i32
    %c0_i32_1 = arith.constant 0 : i32
    return %c0_i32, %c0_i32_0 : i32, i32
  }
  func.func @transform_3(%arg0: i32) -> (i32, i32) {
    %c0_i32 = arith.constant 0 : i32
    %c0_i32_0 = arith.constant 0 : i32
    %c0_i32_1 = arith.constant 0 : i32
    return %c0_i32, %c0_i32_0 : i32, i32
  }
  func.func @transform_4(%arg0: i32) -> (i32, i32) {
    %c0_i32 = arith.constant 0 : i32
    %c0_i32_0 = arith.constant 0 : i32
    %c0_i32_1 = arith.constant 0 : i32
    return %c0_i32, %c0_i32_0 : i32, i32
  }
  func.func @transform_5(%arg0: i32) -> (i32, i32) {
    %c0_i32 = arith.constant 0 : i32
    %c0_i32_0 = arith.constant 0 : i32
    %c0_i32_1 = arith.constant 0 : i32
    return %c0_i32, %c0_i32_0 : i32, i32
  }
  func.func @transform_6(%arg0: i32) -> (i32, i32) {
    %c0_i32 = arith.constant 0 : i32
    %c0_i32_0 = arith.constant 0 : i32
    %c0_i32_1 = arith.constant 0 : i32
    return %c0_i32, %c0_i32_0 : i32, i32
  }
}

module attributes {stable_mosaic.version = 14 : i64} {
  func.func @_rho_body(%arg0: i32, %arg1: memref<2000x256xf32, #tpu.memory_space<vmem>>, %arg2: memref<2000x1xf32, #tpu.memory_space<vmem>>, %arg3: memref<256x256xbf16, #tpu.memory_space<vmem>>, %arg4: memref<1x256xf32, #tpu.memory_space<vmem>>, %arg5: memref<256x256xbf16, #tpu.memory_space<vmem>>, %arg6: memref<1x256xf32, #tpu.memory_space<vmem>>, %arg7: memref<2000x256xf32, #tpu.memory_space<vmem>>) attributes {dimension_semantics = [#tpu.dimension_semantics<arbitrary>], iteration_bounds = array<i64: 5>, scalar_prefetch = 0 : i64, scratch_operands = 0 : i64, tpu.core_type = #tpu.core_type<tc>, window_params = [{transform_indices = @transform_0, window_bounds = array<i64: 2000, 256>}, {transform_indices = @transform_1, window_bounds = array<i64: 2000, 1>}, {pipeline_mode = #tpu.pipeline_mode<synchronous>, transform_indices = @transform_2, window_bounds = array<i64: 256, 256>}, {pipeline_mode = #tpu.pipeline_mode<synchronous>, transform_indices = @transform_3, window_bounds = array<i64: 1, 256>}, {pipeline_mode = #tpu.pipeline_mode<synchronous>, transform_indices = @transform_4, window_bounds = array<i64: 256, 256>}, {pipeline_mode = #tpu.pipeline_mode<synchronous>, transform_indices = @transform_5, window_bounds = array<i64: 1, 256>}, {transform_indices = @transform_6, window_bounds = array<i64: 2000, 256>}]} {
    %get3A = arith.constant 0 : index
    %get3A_0 = arith.constant 0 : index
    %get3A_1 = vector.load %arg1[%get3A, %get3A_0] : memref<2000x256xf32, #tpu.memory_space<vmem>>, vector<2000x256xf32>
    %get3A_2 = arith.constant 0 : index
    %get3A_3 = arith.constant 0 : index
    %get3A_4 = vector.load %arg2[%get3A_2, %get3A_3] : memref<2000x1xf32, #tpu.memory_space<vmem>>, vector<2000x1xf32>
    %max3A = arith.constant 1.000000e+00 : f32
    %max3A_5 = vector.broadcast %max3A : f32 to vector<2000x1xf32>
    %max3A_6 = arith.maximumf %get3A_4, %max3A_5 : vector<2000x1xf32>
    %div3A = vector.broadcast %max3A_6 : vector<2000x1xf32> to vector<2000x256xf32>
    %div3A_7 = arith.divf %get3A_1, %div3A : vector<2000x256xf32>
    %convert_element_type3A = arith.truncf %div3A_7 : vector<2000x256xf32> to vector<2000x256xbf16>
    %get3A_8 = arith.constant 0 : index
    %get3A_9 = arith.constant 0 : index
    %get3A_10 = vector.load %arg3[%get3A_8, %get3A_9] : memref<256x256xbf16, #tpu.memory_space<vmem>>, vector<256x256xbf16>
    %dot_general3A = arith.constant dense<0.000000e+00> : vector<2000x256xf32>
    %dot_general3A_11 = tpu.matmul %convert_element_type3A, %get3A_10, %dot_general3A {dimension_numbers = #tpu.dot_dimension_numbers<[1], [1], [0], [0], [0, 0, 1, 0], [], []>, transpose_lhs_hint = false} : vector<2000x256xbf16>, vector<256x256xbf16>, vector<2000x256xf32> -> vector<2000x256xf32>
    %get3A_12 = arith.constant 0 : index
    %get3A_13 = arith.constant 0 : index
    %get3A_14 = vector.load %arg4[%get3A_12, %get3A_13] : memref<1x256xf32, #tpu.memory_space<vmem>>, vector<1x256xf32>
    %add3A = vector.broadcast %get3A_14 : vector<1x256xf32> to vector<2000x256xf32>
    %add3A_15 = arith.addf %dot_general3A_11, %add3A : vector<2000x256xf32>
    %max3A_16 = arith.constant 0.000000e+00 : f32
    %max3A_17 = vector.broadcast %max3A_16 : f32 to vector<2000x256xf32>
    %max3A_18 = arith.maximumf %add3A_15, %max3A_17 : vector<2000x256xf32>
    %convert_element_type3A_19 = arith.truncf %max3A_18 : vector<2000x256xf32> to vector<2000x256xbf16>
    %get3A_20 = arith.constant 0 : index
    %get3A_21 = arith.constant 0 : index
    %get3A_22 = vector.load %arg5[%get3A_20, %get3A_21] : memref<256x256xbf16, #tpu.memory_space<vmem>>, vector<256x256xbf16>
    %dot_general3A_23 = arith.constant dense<0.000000e+00> : vector<2000x256xf32>
    %dot_general3A_24 = tpu.matmul %convert_element_type3A_19, %get3A_22, %dot_general3A_23 {dimension_numbers = #tpu.dot_dimension_numbers<[1], [1], [0], [0], [0, 0, 1, 0], [], []>, transpose_lhs_hint = false} : vector<2000x256xbf16>, vector<256x256xbf16>, vector<2000x256xf32> -> vector<2000x256xf32>
    %get3A_25 = arith.constant 0 : index
    %get3A_26 = arith.constant 0 : index
    %get3A_27 = vector.load %arg6[%get3A_25, %get3A_26] : memref<1x256xf32, #tpu.memory_space<vmem>>, vector<1x256xf32>
    %add3A_28 = vector.broadcast %get3A_27 : vector<1x256xf32> to vector<2000x256xf32>
    %add3A_29 = arith.addf %dot_general3A_24, %add3A_28 : vector<2000x256xf32>
    %max3A_30 = arith.constant 0.000000e+00 : f32
    %max3A_31 = vector.broadcast %max3A_30 : f32 to vector<2000x256xf32>
    %max3A_32 = arith.maximumf %add3A_29, %max3A_31 : vector<2000x256xf32>
    %swap3A = arith.constant 0 : index
    %swap3A_33 = arith.constant 0 : index
    %swap3A_34 = vector.load %arg7[%swap3A, %swap3A_33] : memref<2000x256xf32, #tpu.memory_space<vmem>>, vector<2000x256xf32>
    tpu.vector_store %arg7[%swap3A, %swap3A_33], %max3A_32 {strides = array<i32>} : memref<2000x256xf32, #tpu.memory_space<vmem>>, vector<2000x256xf32>,
    return
  }
  func.func @transform_0(%arg0: i32) -> (i32, i32) {
    %c0_i32 = arith.constant 0 : i32
    %c0_i32_0 = arith.constant 0 : i32
    return %arg0, %c0_i32 : i32, i32
  }
  func.func @transform_1(%arg0: i32) -> (i32, i32) {
    %c0_i32 = arith.constant 0 : i32
    %c0_i32_0 = arith.constant 0 : i32
    return %arg0, %c0_i32 : i32, i32
  }
  func.func @transform_2(%arg0: i32) -> (i32, i32) {
    %c0_i32 = arith.constant 0 : i32
    %c0_i32_0 = arith.constant 0 : i32
    %c0_i32_1 = arith.constant 0 : i32
    return %c0_i32, %c0_i32_0 : i32, i32
  }
  func.func @transform_3(%arg0: i32) -> (i32, i32) {
    %c0_i32 = arith.constant 0 : i32
    %c0_i32_0 = arith.constant 0 : i32
    %c0_i32_1 = arith.constant 0 : i32
    return %c0_i32, %c0_i32_0 : i32, i32
  }
  func.func @transform_4(%arg0: i32) -> (i32, i32) {
    %c0_i32 = arith.constant 0 : i32
    %c0_i32_0 = arith.constant 0 : i32
    %c0_i32_1 = arith.constant 0 : i32
    return %c0_i32, %c0_i32_0 : i32, i32
  }
  func.func @transform_5(%arg0: i32) -> (i32, i32) {
    %c0_i32 = arith.constant 0 : i32
    %c0_i32_0 = arith.constant 0 : i32
    %c0_i32_1 = arith.constant 0 : i32
    return %c0_i32, %c0_i32_0 : i32, i32
  }
  func.func @transform_6(%arg0: i32) -> (i32, i32) {
    %c0_i32 = arith.constant 0 : i32
    %c0_i32_0 = arith.constant 0 : i32
    return %arg0, %c0_i32 : i32, i32
  }
}

</mosaic_0001>

<sc_bundles>
// kernel: kernel.5.cloned.1.call-start
scs
__scs_entry_jumppad:
0x0: {  	(pc) =	sbr.rel $0x88, $3  }
0x1: {  	(tag) =	ssettag $0x0;
	lr =	simm.s32 $0x1  }
0x2: {  	[smem:$0x3F97] =	sst lr;
	_ =	strace $0xD0000000  }
0x3: {  	_ = 	snop  }
0x4: {  	_ = 	snop  }
0x5: {  	_ = 	snop  }
0x6: {  	_ = 	snop  }
0x7: {  	_ = 	snop  }
__scs_overlays_trampoline_lowered:
0x8: {  	[smem:$0x3FA6] =	sst s0  }
0x9: {  	[smem:$0x3FA7] =	sst s1  }
0xa: {  	[smem:$0x3FA8] =	sst s2  }
0xb: {  	[smem:$0x3FA9] =	sst s3  }
0xc: {  	[smem:$0x3FAA] =	sst s4  }
0xd: {  	[smem:$0x3FAB] =	sst s5  }
0xe: {  	[smem:$0x3FAC] =	sst s6  }
0xf: {  	[smem:$0x3FAD] =	sst s7  }
0x10: {  	[smem:$0x3FAE] =	sst s8  }
0x11: {  	[smem:$0x3FAF] =	sst s9;
	s0 =	simm.s32 @!p0 $0x0  }
0x12: {  	s1 =	sld [smem:$0x3F95];
	s0 =	simm.s32 @p0 $0x1  }
0x13: {  	[smem:$0x3FB0] =	sst s0;
	s0 =	simm.s32 @!p1 $0x0  }
0x14: {  	s2 =	sld [smem:$0x3F94];
	s0 =	simm.s32 @p1 $0x1  }
0x15: {  	[smem:$0x3FB1] =	sst s0;
	s0 =	simm.s32 @!p2 $0x0  }
0x16: {  	s3 =	sld [smem:$0x3FDB];
	s0 =	simm.s32 @p2 $0x1  }
0x17: {  	s4 =	simm.s32 $0x1BF5;
	[smem:$0x3FB3] =	sst s0  }
0x18: {  	s0 =	sld [smem:$0x3F96];
	_ =	swait.ge [sflag:s4], $0x0  }
0x19: {  	s7 =	sld [smem:$0x3F97]  }
0x1a: {  	s8 =	sadd.s32 $0xFFFFE003, lr  }
0x1b: {  	s9 =	sadd.s32 $0xFFFFFEF7, lr;
	s5 =	simm.s32 $0xFFFFFFFF;
	p2 =	slt.u32 s8, $0xFFFFF086  }
0x1c: {  	p1 =	slt.u32 s9, $0xF7A;
	s5 =	simm.s32 @!p2 $0x0  }
0x1d: {  	s5 =	simm.s32 @p1 $0x1;
	p0 =	seq.s32 s7, s2  }
0x1e: {  	s7 =	smul.u32 @!p0 $0xF7A, s2;
	p2 =	seq.s32 @!p0 s5, $0x0  }
0x1f: {  	s9 =	smul.u32 $0xF7A, s1;
	s8 =	simm.s32 @!p0 $0x1BF5;
	p2 =	por !p2, p0  }
0x20: {  	[sflag:s8] =	ssyncset.s32 @!p0 $0xFFFFF086;
	s6 =	sadd.s32 @!p0 s3, s7;
	s7 =	simm.s32 @!p0 $0x108  }
0x21: {  	s3 =	sadd.s32 s3, s9;
	s6 =	sadd.s32 @!p0 $0x88, s6;
	s7 =	simm.s32 @p2 $0x1082  }
0x22: {  	[simem:s7], [sflag:s8] =	dma.local @!p0 [hbm:s6], $0xF7A  }
0x23: {  	s9 =	sor.u32 $0xD0000000, s2;
	s6 =	simm.s32 $0x108;
	_ =	swait.ge @!p0 [sflag:s8], $0x0  }
0x24: {  	s3 =	sadd.s32 $0x88, s3;
	s6 =	simm.s32 @!p1 $0x1082;
	[sflag:s4] =	ssyncset.s32 $0xFFFFF086  }
0x25: {  	[simem:s6], [sflag:s4] =	dma.local [hbm:s3], $0xF7A  }
0x26: {  	[smem:$0x3F97] =	sst s1;
	(tag) =	ssettag s2;
	_ =	strace s9  }
0x27: {  	s1 =	sld [smem:$0x3FA7]  }
0x28: {  	s2 =	sld [smem:$0x3FA8]  }
0x29: {  	s4 =	sld [smem:$0x3FAA]  }
0x2a: {  	p0 =	seq.s32 s5, $0x0;
	s5 =	sld [smem:$0x3FAB]  }
0x2b: {  	s6 =	sld [smem:$0x3FAC]  }
0x2c: {  	s7 =	sld [smem:$0x3FAD]  }
0x2d: {  	s3 =	simm.s32 $0x108;
	s8 =	sld [smem:$0x3FAE]  }
0x2e: {  	s3 =	simm.s32 @!p0 $0x1082;
	s9 =	sld [smem:$0x3FAF]  }
0x2f: {  	lr =	sadd.s32 s0, s3;
	s0 =	sld [smem:$0x3FA6]  }
0x30: {  	s3 =	sld [smem:$0x3FA9]  }
0x31: {  	[smem:$0x3FB2] =	sst s10  }
0x32: {  	s10 =	sld [smem:$0x3FB0];
	_ =	sdelay $0x3  }
0x33: {  	p0 =	seq.s32 s10, $0x1;
	s10 =	sld [smem:$0x3FB2];
	_ =	sdelay $0x3  }
0x34: {  	[smem:$0x3FB2] =	sst s10  }
0x35: {  	s10 =	sld [smem:$0x3FB1];
	_ =	sdelay $0x3  }
0x36: {  	p1 =	seq.s32 s10, $0x1;
	s10 =	sld [smem:$0x3FB2];
	_ =	sdelay $0x3  }
0x37: {  	[smem:$0x3FB2] =	sst s10  }
0x38: {  	s10 =	sld [smem:$0x3FB3]  }
0x39: {  	_ = 	snop;
	(pc) =	sbr.ind lr, $3  }
0x3a: {  	_ = 	snop  }
0x3b: {  	_ = 	snop  }
0x3c: {  	p2 =	seq.s32 s10, $0x1;
	s10 =	sld [smem:$0x3FB2]  }
0x3d: {  	_ =	shalt  }
0x3e: {  	_ =	shalt  }
0x3f: {  	_ =	shalt  }
0x40: {  	_ =	shalt  }
0x41: {  	_ =	shalt  }
0x42: {  	_ =	shalt  }
0x43: {  	_ =	shalt  }
0x44: {  	_ =	shalt  }
0x45: {  	_ =	shalt  }
0x46: {  	_ =	shalt  }
0x47: {  	_ =	shalt  }
0x48: {  	_ =	shalt  }
0x49: {  	_ =	shalt  }
0x4a: {  	_ =	shalt  }
0x4b: {  	_ =	shalt  }
0x4c: {  	_ =	shalt  }
0x4d: {  	_ =	shalt  }
0x4e: {  	_ =	shalt  }
0x4f: {  	_ =	shalt  }
0x50: {  	_ =	shalt  }
0x51: {  	_ =	shalt  }
0x52: {  	_ =	shalt  }
0x53: {  	_ =	shalt  }
0x54: {  	_ =	shalt  }
0x55: {  	_ =	shalt  }
0x56: {  	_ =	shalt  }
0x57: {  	_ =	shalt  }
0x58: {  	_ =	shalt  }
0x59: {  	_ =	shalt  }
0x5a: {  	_ =	shalt  }
0x5b: {  	_ =	shalt  }
0x5c: {  	_ =	shalt  }
0x5d: {  	_ =	shalt  }
0x5e: {  	_ =	shalt  }
0x5f: {  	_ =	shalt  }
0x60: {  	_ =	shalt  }
0x61: {  	_ =	shalt  }
0x62: {  	_ =	shalt  }
0x63: {  	_ =	shalt  }
0x64: {  	_ =	shalt  }
0x65: {  	_ =	shalt  }
0x66: {  	_ =	shalt  }
0x67: {  	_ =	shalt  }
0x68: {  	_ =	shalt  }
0x69: {  	_ =	shalt  }
0x6a: {  	_ =	shalt  }
0x6b: {  	_ =	shalt  }
0x6c: {  	_ =	shalt  }
0x6d: {  	_ =	shalt  }
0x6e: {  	_ =	shalt  }
0x6f: {  	_ =	shalt  }
0x70: {  	_ =	shalt  }
0x71: {  	_ =	shalt  }
0x72: {  	_ =	shalt  }
0x73: {  	_ =	shalt  }
0x74: {  	_ =	shalt  }
0x75: {  	_ =	shalt  }
0x76: {  	_ =	shalt  }
0x77: {  	_ =	shalt  }
0x78: {  	_ =	shalt  }
0x79: {  	_ =	shalt  }
0x7a: {  	_ =	shalt  }
0x7b: {  	_ =	shalt  }
0x7c: {  	_ =	shalt  }
0x7d: {  	_ =	shalt  }
0x7e: {  	_ =	shalt  }
0x7f: {  	_ =	shalt  }
0x80: {  	_ =	shalt  }
0x81: {  	_ =	shalt  }
0x82: {  	_ =	shalt  }
0x83: {  	_ =	shalt  }
0x84: {  	_ =	shalt  }
0x85: {  	_ =	shalt  }
0x86: {  	_ =	shalt  }
0x87: {  	_ =	shalt  }
.Lfunc_end0:
.L_simem_size_0:
called_computation_lowered:
.L_overlay_start_0:
0x88: {  	s2 =	sld [smem:$0x3FD9]  }
0x89: {  	s3 =	sld [smem:$0x3FFE];
	_ =	sdelay $0x1  }
0x8a: {  	s1 =	srdreg.scid  }
0x8b: {  	s0 =	sand.u32 $0x1, s1  }
0x8c: {  	s17 =	sshll.u32 s0, $0xA;
	s2 =	sadd.s32 s3, s2  }
0x8d: {  	s2 =	sadd.s32 s2, s17  }
0x8e: {  	[smem:$0x3FBE] =	sst s2  }
0x8f: {  	_ = 	snop  }
0x90: {  	s2 =	sld [smem:$0x3FD0];
	(tm) =	ssettm $0x1  }
0x91: {  	s18 =	sld [smem:$0x3FFB];
	_ =	sdelay $0x3  }
0x92: {  	_ =	strace s18  }
0x93: {  	s3 =	sld [smem:$0x3FFC];
	_ =	sdelay $0x3  }
0x94: {  	_ =	strace s3  }
0x95: {  	s3 =	sld [smem:$0x3FFD];
	_ =	sdelay $0x3  }
0x96: {  	_ =	strace s3  }
0x97: {  	_ =	strace $0x8FFFFFFF  }
0x98: {  	s19 =	sld [smem:$0x3FDB];
	_ =	sdelay $0x1  }
0x99: {  	s4 =	simm.s32 $_scs_section_size  }
0x9a: {  	s5 =	simm.s32 $_size__tile_overlayer_lowered;
	s6 =	simm.s32 $_tile_overlayer_lowered  }
0x9b: {  	s22 =	simm.s32 $0x1BFF;
	s21 =	sshll.u32 s6, $0x1;
	s3 =	sadd.s32 s4, s19  }
0x9c: {  	s7 =	simm.s32 $0x0;
	s20 =	sshll.u32 s5, $0x1;
	s5 =	sadd.s32 s21, s3  }
0x9d: {  	[timem:s7], [sflag:s22] =	dma.local [hbm:s5], s20  }
0x9e: {  	_ =	swait.ge [sflag:s22], s20  }
0x9f: {  	s4 =	ssub.s32 $0x0, s20;
	[sflag:s22] =	ssyncset.done $0x0  }
0xa0: {  	[sflag:s22] =	ssyncadd.s32 s4;
	_ =	sdelay $0x1  }
0xa1: {  	s23 =	simm.s32 $0x1B8B  }
0xa2: {  	_ =	swait.ge [sflag:s23], $0x1  }
0xa3: {  	[sflag:s23] =	ssyncset.done $0x0  }
0xa4: {  	s25 =	simm.s32 $0x1B8E;
	s24 =	sld [smem:$0x3FFE];
	[sflag:s23] =	ssyncadd.s32 $0xFFFFFFFF  }
0xa5: {  	s26 =	simm.s32 $execute0_lowered;
	[smem:$0x3FD2] =	sst s25  }
0xa6: {  	s5 =	sshll.u32 s26, $0x1;
	_ =	strace $0x80000046;
	[dreg:$0x1] =	wrdreg $0xFFFFFFFF  }
0xa7: {  	s28 =	simm.s32 $_size_execute0_lowered;
	s3 =	sadd.s32 s3, s5;
	[dreg:$0x0] =	wrdreg $0x0  }
0xa8: {  	s5 =	sshll.u32 s28, $0x1;
	[dreg:$0x2] =	wrdreg s3  }
0xa9: {  	[dreg:$0x3] =	wrdreg s5  }
0xaa: {  	[dreg:$0x4] =	wrdreg $0xC0  }
0xab: {  	_ =	task [dreg:s7], $0x5FFFF  }
0xac: {  	[dreg:$0x1] =	wrdreg $0xFFFFFFFF  }
0xad: {  	[dreg:$0x0] =	wrdreg $0x60  }
0xae: {  	[dreg:$0x2] =	wrdreg s2  }
0xaf: {  	[dreg:$0x3] =	wrdreg s24  }
0xb0: {  	[dreg:$0x4] =	wrdreg $0x64800  }
0xb1: {  	[dreg:$0x5] =	wrdreg $0x9  }
0xb2: {  	_ =	task.clear_ibuf [dreg:s7], $0x6FFFF;
	_ =	strace $0x90000046  }
0xb3: {  	s29 =	simm.s32 $0x9;
	_ =	strace $0x80000048  }
0xb4: {  	_ =	swait.ge [sflag:s29], $0x1  }
0xb5: {  	[sflag:s29] =	ssyncadd.s32 $0xFFFFFFFF  }
0xb6: {  	_ =	strace $0x90000048  }
0xb7: {  	_ =	sfence  }
0xb8: {  	s30 =	sld [smem:$0x0];
	_ =	sdelay $0x2  }
0xb9: {  	s31 =	sshll.u32 s1, $0xD;
	s1 =	sshrl.u32 s1, $0x2  }
0xba: {  	s3 =	sand.u32 $0x4000, s31;
	s1 =	sadd.s32 s1, s30  }
0xbb: {  	s0 =	sor.u32 s3, s0;
	s1 =	sshll.u32 s1, $0x11  }
0xbc: {  	s0 =	sor.u32 s1, s0  }
0xbd: {  	s0 =	sadd.s32 $0x8F2B, s0  }
0xbe: {  	[sflag:s0] =	ssyncadd.remote.s32 $0x1  }
0xbf: {  	_ =	sfence.sel $0xFFFF  }
0xc0: {  	[dreg:$0x0] =	wrdreg $0xFFFFFFFF;
	(pc) =	sbr.abs _section_cstart, $3  }
0xc1: {  	[dreg:$0x1] =	wrdreg $0xFFFFFFFF  }
0xc2: {  	_ =	task.clear_ibuf [dreg:s7], $0x2FFFF;
	_ =	strace $0x9FFFFFFF  }
0xc3: {  	(tm) =	ssettm $0x7FFFFFFF  }
tec
execute0_lowered:
.L_overlay_start_1:
0x0: {  	(tag) =	ssettag $0x1  }
0x1: {  	s3 =	rddreg [dreg:$0x0]  }
0x2: {  	s4 =	rddreg [dreg:$0x1]  }
0x3: {  	s1 =	rddreg [dreg:$0x2]  }
0x4: {  	s0 =	rddreg [dreg:$0x3];
	s2 =	simm.s32 $0x0;
	s5 =	srdreg.scid  }
0x5: {  	s6 =	stileid.u32;
	s10 =	simm.s32 $0x1;
	[smem:$0x7FF] =	sst s2  }
0x6: {  	s5 =	sand.u32 $0x1, s5;
	s9 =	smul.u32 $0x500, s6;
	p0 =	sne.s32 s6, $0x0  }
0x7: {  	s6 =	simm.s32 $0x5080;
	s7 =	sshll.u32 s5, $0x4;
	s8 =	ssub.s32 $0x2, s5  }
0x8: {  	_ =	strace $0x80000047;
	s31 =	smul.u32 $0x1388, s5;
	s11 =	sshrl.u32 @!p0 s1, $0x3  }
0x9: {  	s4 =	sadd.s32 s7, s4;
	s30 =	sshrl.u32 s8, $0x1;
	s3 =	sadd.s32 s3, s9  }
0xa: {  	s9 =	simm.s32 $0x5000;
	s7 =	ssub.s32 s8, s30;
	s4 =	sadd.s32 $0xA00, s4  }
0xb: {  	v1 =	vimm.f32 $1.000000000e+00;
	v2 =	vimm.f32 $0.0e+00;
	s8 =	simm.s32 $0x80;
	v0 =	vmov s31;
	s5 =	smax.u32 s7, $0x1;
	s7 =	simm.s32 $0x2  }
.LBB2_1:
0xc: {  	[tilespmem:$0x5000] =	vst v1  }
0xd: {  	[tilespmem:$0x5010] =	vst v1  }
0xe: {  	[tilespmem:$0x5020] =	vst v1  }
.Ltmp0:
0xf: {  	[tilespmem:$0x5030] =	vst v1;
	(pc) =	sbr.rel @p0 .LBB2_5-.Ltmp0, $4  }
0x10: {  	[tilespmem:$0x5040] =	vst v1  }
0x11: {  	[tilespmem:$0x5050] =	vst v1  }
0x12: {  	[tilespmem:$0x5060] =	vst v1  }
0x13: {  	[tilespmem:$0x5070] =	vst v1  }
0x14: {  	s12 =	simm.s32 $0x40;
	s13 =	simm.s32 $0x0  }
.LBB2_3:
0x15: {  	p1 =	sne.s32 s12, $0x4E00;
	[tilespmem:s13+$0x5080] =	vst v2;
	s13 =	smov.u32 s12;
	s12 =	sadd.s32 $0x40, s12  }
.Ltmp1:
0x16: {  	(pc) =	sbr.rel @p1 .LBB2_3-.Ltmp1, $2  }
0x17: {  	_ =	sdelay $0x2  }
0x18: {  	s13 =	sshra.s32 s13, $0x2  }
0x19: {  	[tilespmem:s13+$0x5080] =	vst v2  }
0x1a: {  	[spmem:s1] =	stream.linear.scatter [tilespmem:s6], [sflag:$0x2], $0x1400, $0x38;
	[tilespmem:$0x65C0] =	vst v63  }
0x1b: {  	_ =	swait.ge [sflag:s7], $0x1400  }
0x1c: {  	[sflag:s7] =	ssyncset.done $0x0  }
0x1d: {  	[sflag:s7] =	ssyncadd.s32 $0xFFFFEC00  }
.LBB2_5:
0x1e: {  	[bflag:$0x0] =	sbarrier.arrive $0xFFFF;
	s12 =	simm.s32 $0x0  }
0x1f: {  	[tilespmem:s12], [sflag:$0x2] =	stream.linear.gather [hbm4b:s3+s12], $0x2780, $0x38;
	[tilespmem:$0x65C0] =	vst v63  }
0x20: {  	_ =	swait.ge [sflag:s7], $0x2780  }
0x21: {  	[sflag:s7] =	ssyncset.done $0x0  }
0x22: {  	s14 =	simm.s32 $0x0;
	[sflag:s7] =	ssyncadd.s32 $0xFFFFD880  }
0x23: {  	v3 =	vld [tilespmem:s14+$0x70]  }
0x24: {  	v5 =	vld [tilespmem:s14+$0x0]  }
0x25: {  	v9 =	vld [tilespmem:s14+$0x10]  }
0x26: {  	v7 =	vld [tilespmem:s14+$0x20]  }
0x27: {  	v6 =	vld [tilespmem:s14+$0x30]  }
0x28: {  	v4 =	vld [tilespmem:s14+$0x40];
	v8 =	vsub.s32 v3, v0  }
0x29: {  	v3 =	vld [tilespmem:s14+$0x50];
	v10 =	vsub.s32 v5, v0;
	v11 =	vmin.u32 v8, $0x1388  }
0x2a: {  	s13 =	simm.s32 $0x80;
	s15 =	simm.s32 $0x400;
	v5 =	vld [tilespmem:s14+$0x60];
	v9 =	vsub.s32 v9, v0;
	v8 =	vmin.u32 v10, $0x1388;
	[tilespmem:s14+$0x2870] =	vst v11  }
.LBB2_6:
0x2b: {  	p1 =	sne.s32 s15, $0x9C00;
	v10 =	vld [tilespmem:s13+$0x70];
	[tilespmem:s14+$0x2800] =	vst v8;
	v8 =	vmin.u32 v9, $0x1388;
	v7 =	vsub.s32 v7, v0  }
0x2c: {  	v9 =	vld [tilespmem:s13+$0x0];
	[tilespmem:s14+$0x2810] =	vst v8;
	v7 =	vmin.u32 v7, $0x1388;
	v6 =	vsub.s32 v6, v0  }
0x2d: {  	v11 =	vld [tilespmem:s13+$0x10];
	[tilespmem:s14+$0x2820] =	vst v7;
	v6 =	vmin.u32 v6, $0x1388;
	v4 =	vsub.s32 v4, v0  }
.Ltmp2:
0x2e: {  	v7 =	vld [tilespmem:s13+$0x20];
	[tilespmem:s14+$0x2830] =	vst v6;
	v4 =	vmin.u32 v4, $0x1388;
	v3 =	vsub.s32 v3, v0;
	(pc) =	sbr.rel @p1 .LBB2_6-.Ltmp2, $4  }
0x2f: {  	v6 =	vld [tilespmem:s13+$0x30];
	[tilespmem:s14+$0x2840] =	vst v4;
	v3 =	vmin.u32 v3, $0x1388;
	v5 =	vsub.s32 v5, v0  }
0x30: {  	v4 =	vld [tilespmem:s13+$0x40];
	v8 =	vsub.s32 v10, v0;
	[tilespmem:s14+$0x2850] =	vst v3;
	v5 =	vmin.u32 v5, $0x1388  }
0x31: {  	v9 =	vsub.s32 v9, v0;
	v3 =	vld [tilespmem:s13+$0x50];
	v10 =	vmin.u32 v8, $0x1388;
	[tilespmem:s14+$0x2860] =	vst v5;
	s14 =	smov.u32 s13  }
0x32: {  	s13 =	sshra.s32 s15, $0x2;
	s15 =	sadd.s32 $0x200, s15;
	v8 =	vmin.u32 v9, $0x1388;
	v9 =	vsub.s32 v11, v0;
	v5 =	vld [tilespmem:s14+$0x60];
	[tilespmem:s14+$0x2870] =	vst v10  }
0x33: {  	v10 =	vld [tilespmem:s13+$0x70];
	[tilespmem:s14+$0x2800] =	vst v8;
	v57 =	vmin.u32 v9, $0x1388;
	v7 =	vsub.s32 v7, v0  }
0x34: {  	v58 =	vld [tilespmem:s13+$0x0];
	[tilespmem:s14+$0x2810] =	vst v57;
	v7 =	vmin.u32 v7, $0x1388;
	v6 =	vsub.s32 v6, v0  }
0x35: {  	v8 =	vld [tilespmem:s13+$0x10];
	[tilespmem:s14+$0x2820] =	vst v7;
	v6 =	vmin.u32 v6, $0x1388;
	v4 =	vsub.s32 v4, v0  }
0x36: {  	v7 =	vld [tilespmem:s13+$0x20];
	[tilespmem:s14+$0x2830] =	vst v6;
	v4 =	vmin.u32 v4, $0x1388;
	v3 =	vsub.s32 v3, v0  }
0x37: {  	v6 =	vld [tilespmem:s13+$0x30];
	[tilespmem:s14+$0x2840] =	vst v4;
	v3 =	vmin.u32 v3, $0x1388;
	v5 =	vsub.s32 v5, v0  }
0x38: {  	v4 =	vld [tilespmem:s13+$0x40];
	[tilespmem:s14+$0x2850] =	vst v3;
	v3 =	vmin.u32 v5, $0x1388;
	v10 =	vsub.s32 v10, v0  }
0x39: {  	v59 =	vld [tilespmem:s13+$0x50];
	[tilespmem:s14+$0x2860] =	vst v3;
	v3 =	vsub.s32 v58, v0;
	v60 =	vmin.u32 v10, $0x1388  }
0x3a: {  	v61 =	vld [tilespmem:s13+$0x60];
	v3 =	vmin.u32 v3, $0x1388;
	v8 =	vsub.s32 v8, v0;
	[tilespmem:s13+$0x2870] =	vst v60  }
0x3b: {  	[tilespmem:s13+$0x2800] =	vst v3;
	v3 =	vmin.u32 v8, $0x1388;
	v7 =	vsub.s32 v7, v0  }
0x3c: {  	[tilespmem:s13+$0x2810] =	vst v3;
	v3 =	vmin.u32 v7, $0x1388;
	v6 =	vsub.s32 v6, v0  }
0x3d: {  	[tilespmem:s13+$0x2820] =	vst v3;
	v3 =	vmin.u32 v6, $0x1388;
	v4 =	vsub.s32 v4, v0  }
0x3e: {  	[tilespmem:s13+$0x2830] =	vst v3;
	v3 =	vmin.u32 v4, $0x1388;
	v62 =	vsub.s32 v59, v0  }
0x3f: {  	[tilespmem:s13+$0x2840] =	vst v3;
	v3 =	vmin.u32 v62, $0x1388;
	v63 =	vsub.s32 v61, v0  }
0x40: {  	[tilespmem:s13+$0x2850] =	vst v3;
	v3 =	vmin.u32 v63, $0x1388  }
0x41: {  	[tilespmem:s13+$0x2860] =	vst v3  }
.LBB2_8:
0x42: {  	p1 =	sne.s32 s12, $0x9C00  }
.Ltmp3:
0x43: {  	_ = 	snop;
	(pc) =	sbr.rel @p1 .LBB2_8-.Ltmp3, $4  }
0x44: {  	_ = 	snop  }
0x45: {  	s13 =	sshra.s32 s12, $0x2  }
0x46: {  	s12 =	sadd.s32 $0x200, s12;
	s13 =	sadd.s32 $0x2800, s13  }
0x47: {  	[spmem:s1] =	stream.indirect.scatter.add.f32 [tilespmem:s9], [sflag:$0x1], $0x1, s13, s8, $0xb8;
	[tilespmem:$0x65C0] =	vst v63  }
0x48: {  	_ =	swait.ge [sflag:s10], $0x80  }
0x49: {  	s12 =	simm.s32 $0x4E;
	[sflag:s10] =	ssyncset.done $0x0  }
.LBB2_10:
0x4a: {  	p1 =	sne.s32 s12, $0x1;
	s12 =	sadd.s32 $0xFFFFFFFF, s12;
	[sflag:s10] =	ssyncadd.s32 $0xFFFFFF80  }
.Ltmp4:
0x4b: {  	(pc) =	sbr.rel @p1 .LBB2_10-.Ltmp4, $3  }
0x4c: {  	_ =	sdelay $0x1  }
0x4d: {  	_ =	swait.ge [sflag:s10], $0x80  }
0x4e: {  	[sflag:s10] =	ssyncset.done $0x0  }
0x4f: {  	[sflag:s10] =	ssyncadd.s32 $0xFFFFFF80;
	s12 =	simm.s32 @!p0 $0x1  }
0x50: {  	s13 =	simm.s32 @!p0 $0x20;
	s14 =	simm.s32 @!p0 $0x10;
	s2 =	sadd.s32 $0x1, s2  }
0x51: {  	s15 =	simm.s32 @!p0 $0x1C02;
	[bflag:$0x0] =	sbarrier.arrive $0xFFFF;
	p1 =	sne.s32 s2, s5  }
0x52: {  	[hbm:s4@s13], [sflag:s15] =	dma.strided @!p0 [spmem:s11@s14], $0x280, s12, $0x10   }
.Ltmp5:
0x53: {  	_ = 	snop;
	(pc) =	sbr.rel @p1 .LBB2_1-.Ltmp5, $4  }
0x54: {  	s12 =	simm.s32 @!p0 $0x2  }
0x55: {  	_ =	swait.ge @!p0 [sflag:s12], $0x280  }
0x56: {  	[sflag:s12] =	ssyncset.done @!p0 $0x0  }
0x57: {  	[sflag:s12] =	ssyncadd.s32 @!p0 $0xFFFFFD80  }
0x58: {  	_ =	sfence.sel $0x180000  }
0x59: {  	[bflag:$0x0] =	sbarrier.arrive $0xFFFF  }
0x5a: {  	_ =	strace $0x90000047  }
0x5b: {  	s0 =	sadd.s32 @!p0 $0x100000, s0;
	[bflag:$0x2] =	sbarrier.arrive $0xFFFF  }
0x5c: {  	[sflag:s0] =	ssyncadd.tile.s32 @!p0 $0x1;
	_ =	shalt  }
.Lfunc_end2:
_tile_overlayer_lowered:
.L_overlay_start_2:
0x5d: {  	(tag) =	ssettag $0x2  }
0x5e: {  	s0 =	rddreg [dreg:$0x0];
	s2 =	stileid.u32  }
0x5f: {  	s1 =	rddreg [dreg:$0x1];
	p0 =	sne.s32 s2, $0x0  }
0x60: {  	s3 =	rddreg [dreg:$0x2];
	[bflag:$0x3] =	sbarrier.arrive $0xFFFF;
	s2 =	simm.s32 @!p0 $0x1C02  }
0x61: {  	[timem:s3], [sflag:s2] =	dma.local @!p0 [hbm:s0], s1  }
0x62: {  	s0 =	simm.s32 @!p0 $0x2  }
0x63: {  	_ =	swait.ge @!p0 [sflag:s0], s1  }
0x64: {  	s1 =	ssub.s32 @!p0 $0x0, s1;
	[sflag:s0] =	ssyncset.done @!p0 $0x0  }
0x65: {  	[sflag:s0] =	ssyncadd.s32 @!p0 s1  }
0x66: {  	[bflag:$0x3] =	sbarrier.arrive $0xFFFF  }
0x67: {  	_ =	shalt  }

</sc_bundles>
